<compile_context>
chip_gen: v7x
topology: tpu7x:2x2x1
jax: 0.10.2.dev20260603
libtpu: 0.0.44.dev20260713+nightly
codegen_flags: <defaults>
</compile_context>

<pallas_src>
import functools

import jax
import jax.numpy as jnp
from jax import lax
from jax.experimental import pallas as pl
from jax.experimental.pallas import tpu as pltpu
from jax.experimental.pallas import tpu_sc as plsc

N_ROWS = 16384
N_CLASSES = 1000
NC = 2
NS = 16
NW = NC * NS
B_PER_W = N_ROWS // NW
CHUNK = 128
N_CHUNKS = B_PER_W // CHUNK
LANES = 16
SUB = CHUNK // LANES


def _build_kernel():
  mesh = plsc.VectorSubcoreMesh(core_axis_name="c", subcore_axis_name="s")

  @functools.partial(
      pl.kernel,
      mesh=mesh,
      out_type=jax.ShapeDtypeStruct((NW, LANES), jnp.float32),
      scratch_types=[
          pltpu.VMEM((B_PER_W,), jnp.int32),
          pltpu.VMEM((N_CHUNKS, CHUNK), jnp.int32),
          pltpu.VMEM((N_CHUNKS, CHUNK), jnp.float32),
          pltpu.VMEM((LANES,), jnp.float32),
          pltpu.SemaphoreType.DMA,
      ],
  )
  def loss_kernel(flat_hbm, tgt_hbm, out_hbm, tgt_v, idx_v, vals_v, acc_v, sem):
    wid = lax.axis_index("s") * NC + lax.axis_index("c")
    base = wid * B_PER_W
    pltpu.sync_copy(tgt_hbm.at[pl.ds(base, B_PER_W)], tgt_v)
    copies = []
    for j in range(N_CHUNKS):
      for k in range(SUB):
        t = tgt_v[pl.ds(j * CHUNK + k * LANES, LANES)]
        i = base + j * CHUNK + k * LANES + lax.iota(jnp.int32, LANES)
        q = lax.shift_right_logical(i * 67109, 26)
        rem = i - q * N_CLASSES
        rr = t + q
        idx_v[j, pl.ds(k * LANES, LANES)] = (
            lax.shift_left(lax.shift_right_logical(rem, 3), 17)
            + lax.shift_left(lax.shift_right_logical(rr, 7), 10)
            + lax.shift_left(lax.bitwise_and(rem, 7), 7)
            + lax.bitwise_and(rr, 127)
        )
      copies.append(
          pltpu.async_copy(flat_hbm.at[idx_v.at[j]], vals_v.at[j], sem))
    acc = jnp.zeros((LANES,), jnp.float32)
    for j in range(N_CHUNKS):
      copies[j].wait()
      for k in range(SUB):
        acc = acc + vals_v[j, pl.ds(k * LANES, LANES)]
    acc_v[...] = acc
    pltpu.sync_copy(acc_v, out_hbm.at[wid])

  return loss_kernel


_loss_kernel = _build_kernel()


@jax.jit
def kernel(predictions, targets):
  flat_t = (
      predictions.T
      .reshape(N_CLASSES // 8, 8, N_ROWS // 128, 128)
      .transpose(0, 2, 1, 3)
      .reshape(-1)
  )
  tgt = targets.astype(jnp.int32)
  partials = _loss_kernel(flat_t, tgt)
  return -(partials.sum() / jnp.float32(N_ROWS))

# --- scband reference (transcript-rebuilt; emitter-appended) ---
"""Pipeline reference for scband-model-new-82643760710241 (READ-ONLY COPY).

The authoritative reference and input builder live on the scoring server;
editing this copy changes nothing except your own understanding.
"""

import jax, jax.numpy as jnp
import numpy as np

def setup_inputs(seed: int = 0) -> dict:
    key = jax.random.key(seed)
    k1, k2 = jax.random.split(key)
    predictions = jax.random.uniform(k1, (16384, 1000), dtype=jnp.float32)
    targets = jax.random.randint(k2, (16384,), 0, 1000, dtype=jnp.int64)
    return {"predictions": predictions, "targets": targets}

def reference(predictions, targets):
    # Faithful translation of the Triton kernel semantics:
    # gather_indices = targets * n_classes + row_offsets, read from the FLAT
    # predictions buffer, loss = -gathered value, then mean over rows.
    n_predictions, n_classes = predictions.shape
    flat = predictions.reshape(-1)
    offsets = jnp.arange(n_predictions, dtype=targets.dtype)
    gather_indices = targets * n_classes + offsets
    loss = -jnp.take(flat, gather_indices)
    return loss.mean()

if __name__ == "__main__":
    import jax
    _d = setup_inputs()
    print(jax.jit(kernel)(*tuple(_d.values())))

</pallas_src>

<mosaic_0001>
#map = affine_map<(d0, d1) -> (0)>
#map1 = affine_map<(d0, d1) -> (0, 0)>
module attributes {stable_mosaic.version = 14 : i64} {
  func.func @loss_kernel(%arg0: i32, %arg1: i32, %arg2: memref<16384000xf32, #tpu.memory_space<hbm>>, %arg3: memref<16384xi32, #tpu.memory_space<hbm>>, %arg4: memref<32x16xf32, #tpu.memory_space<hbm>>, %arg5: memref<512xi32, #tpu.memory_space<vmem>>, %arg6: memref<4x128xi32, #tpu.memory_space<vmem>>, %arg7: memref<4x128xf32, #tpu.memory_space<vmem>>, %arg8: memref<16xf32, #tpu.memory_space<vmem>>, %arg9: memref<!tpu.dma_semaphore, #tpu.memory_space<semaphore_mem>>) attributes {dimension_semantics = [#tpu.dimension_semantics<core_parallel>, #tpu.dimension_semantics<subcore_parallel>], iteration_bounds = array<i64: 2, 16>, scalar_prefetch = 0 : i64, scratch_operands = 5 : i64, tpu.core_type = #tpu.core_type<sc_vector_subcore>, window_params = [{transform_indices = #map}, {transform_indices = #map}, {transform_indices = #map1}]} {
    %mul3A = arith.constant 2 : i32
    %mul3A_0 = arith.muli %arg1, %mul3A : i32
    %add3A = arith.addi %mul3A_0, %arg0 : i32
    %mul3A_1 = arith.constant 512 : i32
    %mul3A_2 = arith.muli %add3A, %mul3A_1 : i32
    "tpu.region"() ({
      %run_scoped3A = tpu.sem_alloc : memref<!tpu.dma_semaphore, #tpu.memory_space<semaphore_mem>>
      %dma_start3A_1903 = tpu.memref_slice %arg3[%mul3A_2] : memref<16384xi32, #tpu.memory_space<hbm>> -> memref<512xi32, #tpu.memory_space<hbm>>
      %dma_start3A_1904 = tpu.memref_slice %arg3[%mul3A_2] : memref<16384xi32, #tpu.memory_space<hbm>> -> memref<512xi32, #tpu.memory_space<hbm>>
      tpu.enqueue_dma source(%dma_start3A_1904 : memref<512xi32, #tpu.memory_space<hbm>>) target(%arg5 : memref<512xi32, #tpu.memory_space<vmem>>) target_semaphore(%run_scoped3A : memref<!tpu.dma_semaphore, #tpu.memory_space<semaphore_mem>>)
      %dma_wait3A_1905 = tpu.memref_slice %arg3[%mul3A_2] : memref<16384xi32, #tpu.memory_space<hbm>> -> memref<512xi32, #tpu.memory_space<hbm>>
      %dma_wait3A_1906 = tpu.memref_slice %arg3[%mul3A_2] : memref<16384xi32, #tpu.memory_space<hbm>> -> memref<512xi32, #tpu.memory_space<hbm>>
      tpu.wait_dma2 semaphore(%run_scoped3A : memref<!tpu.dma_semaphore, #tpu.memory_space<semaphore_mem>>) src(%dma_wait3A_1906 : memref<512xi32, #tpu.memory_space<hbm>>) dst(%arg5 : memref<512xi32, #tpu.memory_space<vmem>>)
      tpu.yield
    }) : () -> ()
    %get3A = arith.constant 0 : index
    %get3A_3 = tpu.vector_load %arg5[%get3A] {strides = array<i32>} : memref<512xi32, #tpu.memory_space<vmem>>, vector<16xi32>,
    %get3A_4 = vector.shape_cast %get3A_3 : vector<16xi32> to vector<16xi32>
    %add3A_5 = arith.constant 0 : i32
    %add3A_6 = arith.addi %mul3A_2, %add3A_5 : i32
    %add3A_7 = arith.constant 0 : i32
    %add3A_8 = arith.addi %add3A_6, %add3A_7 : i32
    %iota3A = tpu.iota {dimensions = array<i32: 0>} : vector<16xi32>
    %add3A_9 = vector.broadcast %add3A_8 : i32 to vector<16xi32>
    %add3A_10 = arith.addi %add3A_9, %iota3A : vector<16xi32>
    %mul3A_11 = arith.constant 67109 : i32
    %mul3A_12 = vector.broadcast %mul3A_11 : i32 to vector<16xi32>
    %mul3A_13 = arith.muli %add3A_10, %mul3A_12 : vector<16xi32>
    %shift_right_logical3A = arith.constant 26 : i32
    %shift_right_logical3A_14 = vector.broadcast %shift_right_logical3A : i32 to vector<16xi32>
    %shift_right_logical3A_15 = arith.shrui %mul3A_13, %shift_right_logical3A_14 : vector<16xi32>
    %mul3A_16 = arith.constant 1000 : i32
    %mul3A_17 = vector.broadcast %mul3A_16 : i32 to vector<16xi32>
    %mul3A_18 = arith.muli %shift_right_logical3A_15, %mul3A_17 : vector<16xi32>
    %sub3A = arith.subi %add3A_10, %mul3A_18 : vector<16xi32>
    %add3A_19 = arith.addi %get3A_4, %shift_right_logical3A_15 : vector<16xi32>
    %shift_right_logical3A_20 = arith.constant 3 : i32
    %shift_right_logical3A_21 = vector.broadcast %shift_right_logical3A_20 : i32 to vector<16xi32>
    %shift_right_logical3A_22 = arith.shrui %sub3A, %shift_right_logical3A_21 : vector<16xi32>
    %shift_left3A = arith.constant 17 : i32
    %shift_left3A_23 = vector.broadcast %shift_left3A : i32 to vector<16xi32>
    %shift_left3A_24 = arith.shli %shift_right_logical3A_22, %shift_left3A_23 : vector<16xi32>
    %shift_right_logical3A_25 = arith.constant 7 : i32
    %shift_right_logical3A_26 = vector.broadcast %shift_right_logical3A_25 : i32 to vector<16xi32>
    %shift_right_logical3A_27 = arith.shrui %add3A_19, %shift_right_logical3A_26 : vector<16xi32>
    %shift_left3A_28 = arith.constant 10 : i32
    %shift_left3A_29 = vector.broadcast %shift_left3A_28 : i32 to vector<16xi32>
    %shift_left3A_30 = arith.shli %shift_right_logical3A_27, %shift_left3A_29 : vector<16xi32>
    %add3A_31 = arith.addi %shift_left3A_24, %shift_left3A_30 : vector<16xi32>
    %and3A = arith.constant 7 : i32
    %and3A_32 = vector.broadcast %and3A : i32 to vector<16xi32>
    %and3A_33 = arith.andi %sub3A, %and3A_32 : vector<16xi32>
    %shift_left3A_34 = arith.constant 7 : i32
    %shift_left3A_35 = vector.broadcast %shift_left3A_34 : i32 to vector<16xi32>
    %shift_left3A_36 = arith.shli %and3A_33, %shift_left3A_35 : vector<16xi32>
    %add3A_37 = arith.addi %add3A_31, %shift_left3A_36 : vector<16xi32>
    %and3A_38 = arith.constant 127 : i32
    %and3A_39 = vector.broadcast %and3A_38 : i32 to vector<16xi32>
    %and3A_40 = arith.andi %add3A_19, %and3A_39 : vector<16xi32>
    %add3A_41 = arith.addi %add3A_37, %and3A_40 : vector<16xi32>
    %swap3A = arith.constant 0 : i32
    %swap3A_42 = arith.index_cast %swap3A : i32 to index
    %swap3A_43 = arith.constant 0 : index
    %swap3A_44 = tpu.vector_load %arg6[%swap3A_42, %swap3A_43] {strides = array<i32>} : memref<4x128xi32, #tpu.memory_space<vmem>>, vector<1x16xi32>,
    %swap3A_45 = vector.shape_cast %swap3A_44 : vector<1x16xi32> to vector<16xi32>
    %swap3A_46 = vector.shape_cast %add3A_41 : vector<16xi32> to vector<1x16xi32>
    tpu.vector_store %arg6[%swap3A_42, %swap3A_43], %swap3A_46 {strides = array<i32>} : memref<4x128xi32, #tpu.memory_space<vmem>>, vector<1x16xi32>,
    %get3A_47 = arith.constant 16 : index
    %get3A_48 = tpu.vector_load %arg5[%get3A_47] {strides = array<i32>} : memref<512xi32, #tpu.memory_space<vmem>>, vector<16xi32>,
    %get3A_49 = vector.shape_cast %get3A_48 : vector<16xi32> to vector<16xi32>
    %add3A_50 = arith.constant 0 : i32
    %add3A_51 = arith.addi %mul3A_2, %add3A_50 : i32
    %add3A_52 = arith.constant 16 : i32
    %add3A_53 = arith.addi %add3A_51, %add3A_52 : i32
    %iota3A_54 = tpu.iota {dimensions = array<i32: 0>} : vector<16xi32>
    %add3A_55 = vector.broadcast %add3A_53 : i32 to vector<16xi32>
    %add3A_56 = arith.addi %add3A_55, %iota3A_54 : vector<16xi32>
    %mul3A_57 = arith.constant 67109 : i32
    %mul3A_58 = vector.broadcast %mul3A_57 : i32 to vector<16xi32>
    %mul3A_59 = arith.muli %add3A_56, %mul3A_58 : vector<16xi32>
    %shift_right_logical3A_60 = arith.constant 26 : i32
    %shift_right_logical3A_61 = vector.broadcast %shift_right_logical3A_60 : i32 to vector<16xi32>
    %shift_right_logical3A_62 = arith.shrui %mul3A_59, %shift_right_logical3A_61 : vector<16xi32>
    %mul3A_63 = arith.constant 1000 : i32
    %mul3A_64 = vector.broadcast %mul3A_63 : i32 to vector<16xi32>
    %mul3A_65 = arith.muli %shift_right_logical3A_62, %mul3A_64 : vector<16xi32>
    %sub3A_66 = arith.subi %add3A_56, %mul3A_65 : vector<16xi32>
    %add3A_67 = arith.addi %get3A_49, %shift_right_logical3A_62 : vector<16xi32>
    %shift_right_logical3A_68 = arith.constant 3 : i32
    %shift_right_logical3A_69 = vector.broadcast %shift_right_logical3A_68 : i32 to vector<16xi32>
    %shift_right_logical3A_70 = arith.shrui %sub3A_66, %shift_right_logical3A_69 : vector<16xi32>
    %shift_left3A_71 = arith.constant 17 : i32
    %shift_left3A_72 = vector.broadcast %shift_left3A_71 : i32 to vector<16xi32>
    %shift_left3A_73 = arith.shli %shift_right_logical3A_70, %shift_left3A_72 : vector<16xi32>
    %shift_right_logical3A_74 = arith.constant 7 : i32
    %shift_right_logical3A_75 = vector.broadcast %shift_right_logical3A_74 : i32 to vector<16xi32>
    %shift_right_logical3A_76 = arith.shrui %add3A_67, %shift_right_logical3A_75 : vector<16xi32>
    %shift_left3A_77 = arith.constant 10 : i32
    %shift_left3A_78 = vector.broadcast %shift_left3A_77 : i32 to vector<16xi32>
    %shift_left3A_79 = arith.shli %shift_right_logical3A_76, %shift_left3A_78 : vector<16xi32>
    %add3A_80 = arith.addi %shift_left3A_73, %shift_left3A_79 : vector<16xi32>
    %and3A_81 = arith.constant 7 : i32
    %and3A_82 = vector.broadcast %and3A_81 : i32 to vector<16xi32>
    %and3A_83 = arith.andi %sub3A_66, %and3A_82 : vector<16xi32>
    %shift_left3A_84 = arith.constant 7 : i32
    %shift_left3A_85 = vector.broadcast %shift_left3A_84 : i32 to vector<16xi32>
    %shift_left3A_86 = arith.shli %and3A_83, %shift_left3A_85 : vector<16xi32>
    %add3A_87 = arith.addi %add3A_80, %shift_left3A_86 : vector<16xi32>
    %and3A_88 = arith.constant 127 : i32
    %and3A_89 = vector.broadcast %and3A_88 : i32 to vector<16xi32>
    %and3A_90 = arith.andi %add3A_67, %and3A_89 : vector<16xi32>
    %add3A_91 = arith.addi %add3A_87, %and3A_90 : vector<16xi32>
    %swap3A_92 = arith.constant 0 : i32
    %swap3A_93 = arith.index_cast %swap3A_92 : i32 to index
    %swap3A_94 = arith.constant 16 : index
    %swap3A_95 = tpu.vector_load %arg6[%swap3A_93, %swap3A_94] {strides = array<i32>} : memref<4x128xi32, #tpu.memory_space<vmem>>, vector<1x16xi32>,
    %swap3A_96 = vector.shape_cast %swap3A_95 : vector<1x16xi32> to vector<16xi32>
    %swap3A_97 = vector.shape_cast %add3A_91 : vector<16xi32> to vector<1x16xi32>
    tpu.vector_store %arg6[%swap3A_93, %swap3A_94], %swap3A_97 {strides = array<i32>} : memref<4x128xi32, #tpu.memory_space<vmem>>, vector<1x16xi32>,
    %get3A_98 = arith.constant 32 : index
    %get3A_99 = tpu.vector_load %arg5[%get3A_98] {strides = array<i32>} : memref<512xi32, #tpu.memory_space<vmem>>, vector<16xi32>,
    %get3A_100 = vector.shape_cast %get3A_99 : vector<16xi32> to vector<16xi32>
    %add3A_101 = arith.constant 0 : i32
    %add3A_102 = arith.addi %mul3A_2, %add3A_101 : i32
    %add3A_103 = arith.constant 32 : i32
    %add3A_104 = arith.addi %add3A_102, %add3A_103 : i32
    %iota3A_105 = tpu.iota {dimensions = array<i32: 0>} : vector<16xi32>
    %add3A_106 = vector.broadcast %add3A_104 : i32 to vector<16xi32>
    %add3A_107 = arith.addi %add3A_106, %iota3A_105 : vector<16xi32>
    %mul3A_108 = arith.constant 67109 : i32
    %mul3A_109 = vector.broadcast %mul3A_108 : i32 to vector<16xi32>
    %mul3A_110 = arith.muli %add3A_107, %mul3A_109 : vector<16xi32>
    %shift_right_logical3A_111 = arith.constant 26 : i32
    %shift_right_logical3A_112 = vector.broadcast %shift_right_logical3A_111 : i32 to vector<16xi32>
    %shift_right_logical3A_113 = arith.shrui %mul3A_110, %shift_right_logical3A_112 : vector<16xi32>
    %mul3A_114 = arith.constant 1000 : i32
    %mul3A_115 = vector.broadcast %mul3A_114 : i32 to vector<16xi32>
    %mul3A_116 = arith.muli %shift_right_logical3A_113, %mul3A_115 : vector<16xi32>
    %sub3A_117 = arith.subi %add3A_107, %mul3A_116 : vector<16xi32>
    %add3A_118 = arith.addi %get3A_100, %shift_right_logical3A_113 : vector<16xi32>
    %shift_right_logical3A_119 = arith.constant 3 : i32
    %shift_right_logical3A_120 = vector.broadcast %shift_right_logical3A_119 : i32 to vector<16xi32>
    %shift_right_logical3A_121 = arith.shrui %sub3A_117, %shift_right_logical3A_120 : vector<16xi32>
    %shift_left3A_122 = arith.constant 17 : i32
    %shift_left3A_123 = vector.broadcast %shift_left3A_122 : i32 to vector<16xi32>
    %shift_left3A_124 = arith.shli %shift_right_logical3A_121, %shift_left3A_123 : vector<16xi32>
    %shift_right_logical3A_125 = arith.constant 7 : i32
    %shift_right_logical3A_126 = vector.broadcast %shift_right_logical3A_125 : i32 to vector<16xi32>
    %shift_right_logical3A_127 = arith.shrui %add3A_118, %shift_right_logical3A_126 : vector<16xi32>
    %shift_left3A_128 = arith.constant 10 : i32
    %shift_left3A_129 = vector.broadcast %shift_left3A_128 : i32 to vector<16xi32>
    %shift_left3A_130 = arith.shli %shift_right_logical3A_127, %shift_left3A_129 : vector<16xi32>
    %add3A_131 = arith.addi %shift_left3A_124, %shift_left3A_130 : vector<16xi32>
    %and3A_132 = arith.constant 7 : i32
    %and3A_133 = vector.broadcast %and3A_132 : i32 to vector<16xi32>
    %and3A_134 = arith.andi %sub3A_117, %and3A_133 : vector<16xi32>
    %shift_left3A_135 = arith.constant 7 : i32
    %shift_left3A_136 = vector.broadcast %shift_left3A_135 : i32 to vector<16xi32>
    %shift_left3A_137 = arith.shli %and3A_134, %shift_left3A_136 : vector<16xi32>
    %add3A_138 = arith.addi %add3A_131, %shift_left3A_137 : vector<16xi32>
    %and3A_139 = arith.constant 127 : i32
    %and3A_140 = vector.broadcast %and3A_139 : i32 to vector<16xi32>
    %and3A_141 = arith.andi %add3A_118, %and3A_140 : vector<16xi32>
    %add3A_142 = arith.addi %add3A_138, %and3A_141 : vector<16xi32>
    %swap3A_143 = arith.constant 0 : i32
    %swap3A_144 = arith.index_cast %swap3A_143 : i32 to index
    %swap3A_145 = arith.constant 32 : index
    %swap3A_146 = tpu.vector_load %arg6[%swap3A_144, %swap3A_145] {strides = array<i32>} : memref<4x128xi32, #tpu.memory_space<vmem>>, vector<1x16xi32>,
    %swap3A_147 = vector.shape_cast %swap3A_146 : vector<1x16xi32> to vector<16xi32>
    %swap3A_148 = vector.shape_cast %add3A_142 : vector<16xi32> to vector<1x16xi32>
    tpu.vector_store %arg6[%swap3A_144, %swap3A_145], %swap3A_148 {strides = array<i32>} : memref<4x128xi32, #tpu.memory_space<vmem>>, vector<1x16xi32>,
    %get3A_149 = arith.constant 48 : index
    %get3A_150 = tpu.vector_load %arg5[%get3A_149] {strides = array<i32>} : memref<512xi32, #tpu.memory_space<vmem>>, vector<16xi32>,
    %get3A_151 = vector.shape_cast %get3A_150 : vector<16xi32> to vector<16xi32>
    %add3A_152 = arith.constant 0 : i32
    %add3A_153 = arith.addi %mul3A_2, %add3A_152 : i32
    %add3A_154 = arith.constant 48 : i32
    %add3A_155 = arith.addi %add3A_153, %add3A_154 : i32
    %iota3A_156 = tpu.iota {dimensions = array<i32: 0>} : vector<16xi32>
    %add3A_157 = vector.broadcast %add3A_155 : i32 to vector<16xi32>
    %add3A_158 = arith.addi %add3A_157, %iota3A_156 : vector<16xi32>
    %mul3A_159 = arith.constant 67109 : i32
    %mul3A_160 = vector.broadcast %mul3A_159 : i32 to vector<16xi32>
    %mul3A_161 = arith.muli %add3A_158, %mul3A_160 : vector<16xi32>
    %shift_right_logical3A_162 = arith.constant 26 : i32
    %shift_right_logical3A_163 = vector.broadcast %shift_right_logical3A_162 : i32 to vector<16xi32>
    %shift_right_logical3A_164 = arith.shrui %mul3A_161, %shift_right_logical3A_163 : vector<16xi32>
    %mul3A_165 = arith.constant 1000 : i32
    %mul3A_166 = vector.broadcast %mul3A_165 : i32 to vector<16xi32>
    %mul3A_167 = arith.muli %shift_right_logical3A_164, %mul3A_166 : vector<16xi32>
    %sub3A_168 = arith.subi %add3A_158, %mul3A_167 : vector<16xi32>
    %add3A_169 = arith.addi %get3A_151, %shift_right_logical3A_164 : vector<16xi32>
    %shift_right_logical3A_170 = arith.constant 3 : i32
    %shift_right_logical3A_171 = vector.broadcast %shift_right_logical3A_170 : i32 to vector<16xi32>
    %shift_right_logical3A_172 = arith.shrui %sub3A_168, %shift_right_logical3A_171 : vector<16xi32>
    %shift_left3A_173 = arith.constant 17 : i32
    %shift_left3A_174 = vector.broadcast %shift_left3A_173 : i32 to vector<16xi32>
    %shift_left3A_175 = arith.shli %shift_right_logical3A_172, %shift_left3A_174 : vector<16xi32>
    %shift_right_logical3A_176 = arith.constant 7 : i32
    %shift_right_logical3A_177 = vector.broadcast %shift_right_logical3A_176 : i32 to vector<16xi32>
    %shift_right_logical3A_178 = arith.shrui %add3A_169, %shift_right_logical3A_177 : vector<16xi32>
    %shift_left3A_179 = arith.constant 10 : i32
    %shift_left3A_180 = vector.broadcast %shift_left3A_179 : i32 to vector<16xi32>
    %shift_left3A_181 = arith.shli %shift_right_logical3A_178, %shift_left3A_180 : vector<16xi32>
    %add3A_182 = arith.addi %shift_left3A_175, %shift_left3A_181 : vector<16xi32>
    %and3A_183 = arith.constant 7 : i32
    %and3A_184 = vector.broadcast %and3A_183 : i32 to vector<16xi32>
    %and3A_185 = arith.andi %sub3A_168, %and3A_184 : vector<16xi32>
    %shift_left3A_186 = arith.constant 7 : i32
    %shift_left3A_187 = vector.broadcast %shift_left3A_186 : i32 to vector<16xi32>
    %shift_left3A_188 = arith.shli %and3A_185, %shift_left3A_187 : vector<16xi32>
    %add3A_189 = arith.addi %add3A_182, %shift_left3A_188 : vector<16xi32>
    %and3A_190 = arith.constant 127 : i32
    %and3A_191 = vector.broadcast %and3A_190 : i32 to vector<16xi32>
    %and3A_192 = arith.andi %add3A_169, %and3A_191 : vector<16xi32>
    %add3A_193 = arith.addi %add3A_189, %and3A_192 : vector<16xi32>
    %swap3A_194 = arith.constant 0 : i32
    %swap3A_195 = arith.index_cast %swap3A_194 : i32 to index
    %swap3A_196 = arith.constant 48 : index
    %swap3A_197 = tpu.vector_load %arg6[%swap3A_195, %swap3A_196] {strides = array<i32>} : memref<4x128xi32, #tpu.memory_space<vmem>>, vector<1x16xi32>,
    %swap3A_198 = vector.shape_cast %swap3A_197 : vector<1x16xi32> to vector<16xi32>
    %swap3A_199 = vector.shape_cast %add3A_193 : vector<16xi32> to vector<1x16xi32>
    tpu.vector_store %arg6[%swap3A_195, %swap3A_196], %swap3A_199 {strides = array<i32>} : memref<4x128xi32, #tpu.memory_space<vmem>>, vector<1x16xi32>,
    %get3A_200 = arith.constant 64 : index
    %get3A_201 = tpu.vector_load %arg5[%get3A_200] {strides = array<i32>} : memref<512xi32, #tpu.memory_space<vmem>>, vector<16xi32>,
    %get3A_202 = vector.shape_cast %get3A_201 : vector<16xi32> to vector<16xi32>
    %add3A_203 = arith.constant 0 : i32
    %add3A_204 = arith.addi %mul3A_2, %add3A_203 : i32
    %add3A_205 = arith.constant 64 : i32
    %add3A_206 = arith.addi %add3A_204, %add3A_205 : i32
    %iota3A_207 = tpu.iota {dimensions = array<i32: 0>} : vector<16xi32>
    %add3A_208 = vector.broadcast %add3A_206 : i32 to vector<16xi32>
    %add3A_209 = arith.addi %add3A_208, %iota3A_207 : vector<16xi32>
    %mul3A_210 = arith.constant 67109 : i32
    %mul3A_211 = vector.broadcast %mul3A_210 : i32 to vector<16xi32>
    %mul3A_212 = arith.muli %add3A_209, %mul3A_211 : vector<16xi32>
    %shift_right_logical3A_213 = arith.constant 26 : i32
    %shift_right_logical3A_214 = vector.broadcast %shift_right_logical3A_213 : i32 to vector<16xi32>
    %shift_right_logical3A_215 = arith.shrui %mul3A_212, %shift_right_logical3A_214 : vector<16xi32>
    %mul3A_216 = arith.constant 1000 : i32
    %mul3A_217 = vector.broadcast %mul3A_216 : i32 to vector<16xi32>
    %mul3A_218 = arith.muli %shift_right_logical3A_215, %mul3A_217 : vector<16xi32>
    %sub3A_219 = arith.subi %add3A_209, %mul3A_218 : vector<16xi32>
    %add3A_220 = arith.addi %get3A_202, %shift_right_logical3A_215 : vector<16xi32>
    %shift_right_logical3A_221 = arith.constant 3 : i32
    %shift_right_logical3A_222 = vector.broadcast %shift_right_logical3A_221 : i32 to vector<16xi32>
    %shift_right_logical3A_223 = arith.shrui %sub3A_219, %shift_right_logical3A_222 : vector<16xi32>
    %shift_left3A_224 = arith.constant 17 : i32
    %shift_left3A_225 = vector.broadcast %shift_left3A_224 : i32 to vector<16xi32>
    %shift_left3A_226 = arith.shli %shift_right_logical3A_223, %shift_left3A_225 : vector<16xi32>
    %shift_right_logical3A_227 = arith.constant 7 : i32
    %shift_right_logical3A_228 = vector.broadcast %shift_right_logical3A_227 : i32 to vector<16xi32>
    %shift_right_logical3A_229 = arith.shrui %add3A_220, %shift_right_logical3A_228 : vector<16xi32>
    %shift_left3A_230 = arith.constant 10 : i32
    %shift_left3A_231 = vector.broadcast %shift_left3A_230 : i32 to vector<16xi32>
    %shift_left3A_232 = arith.shli %shift_right_logical3A_229, %shift_left3A_231 : vector<16xi32>
    %add3A_233 = arith.addi %shift_left3A_226, %shift_left3A_232 : vector<16xi32>
    %and3A_234 = arith.constant 7 : i32
    %and3A_235 = vector.broadcast %and3A_234 : i32 to vector<16xi32>
    %and3A_236 = arith.andi %sub3A_219, %and3A_235 : vector<16xi32>
    %shift_left3A_237 = arith.constant 7 : i32
    %shift_left3A_238 = vector.broadcast %shift_left3A_237 : i32 to vector<16xi32>
    %shift_left3A_239 = arith.shli %and3A_236, %shift_left3A_238 : vector<16xi32>
    %add3A_240 = arith.addi %add3A_233, %shift_left3A_239 : vector<16xi32>
    %and3A_241 = arith.constant 127 : i32
    %and3A_242 = vector.broadcast %and3A_241 : i32 to vector<16xi32>
    %and3A_243 = arith.andi %add3A_220, %and3A_242 : vector<16xi32>
    %add3A_244 = arith.addi %add3A_240, %and3A_243 : vector<16xi32>
    %swap3A_245 = arith.constant 0 : i32
    %swap3A_246 = arith.index_cast %swap3A_245 : i32 to index
    %swap3A_247 = arith.constant 64 : index
    %swap3A_248 = tpu.vector_load %arg6[%swap3A_246, %swap3A_247] {strides = array<i32>} : memref<4x128xi32, #tpu.memory_space<vmem>>, vector<1x16xi32>,
    %swap3A_249 = vector.shape_cast %swap3A_248 : vector<1x16xi32> to vector<16xi32>
    %swap3A_250 = vector.shape_cast %add3A_244 : vector<16xi32> to vector<1x16xi32>
    tpu.vector_store %arg6[%swap3A_246, %swap3A_247], %swap3A_250 {strides = array<i32>} : memref<4x128xi32, #tpu.memory_space<vmem>>, vector<1x16xi32>,
    %get3A_251 = arith.constant 80 : index
    %get3A_252 = tpu.vector_load %arg5[%get3A_251] {strides = array<i32>} : memref<512xi32, #tpu.memory_space<vmem>>, vector<16xi32>,
    %get3A_253 = vector.shape_cast %get3A_252 : vector<16xi32> to vector<16xi32>
    %add3A_254 = arith.constant 0 : i32
    %add3A_255 = arith.addi %mul3A_2, %add3A_254 : i32
    %add3A_256 = arith.constant 80 : i32
    %add3A_257 = arith.addi %add3A_255, %add3A_256 : i32
    %iota3A_258 = tpu.iota {dimensions = array<i32: 0>} : vector<16xi32>
    %add3A_259 = vector.broadcast %add3A_257 : i32 to vector<16xi32>
    %add3A_260 = arith.addi %add3A_259, %iota3A_258 : vector<16xi32>
    %mul3A_261 = arith.constant 67109 : i32
    %mul3A_262 = vector.broadcast %mul3A_261 : i32 to vector<16xi32>
    %mul3A_263 = arith.muli %add3A_260, %mul3A_262 : vector<16xi32>
    %shift_right_logical3A_264 = arith.constant 26 : i32
    %shift_right_logical3A_265 = vector.broadcast %shift_right_logical3A_264 : i32 to vector<16xi32>
    %shift_right_logical3A_266 = arith.shrui %mul3A_263, %shift_right_logical3A_265 : vector<16xi32>
    %mul3A_267 = arith.constant 1000 : i32
    %mul3A_268 = vector.broadcast %mul3A_267 : i32 to vector<16xi32>
    %mul3A_269 = arith.muli %shift_right_logical3A_266, %mul3A_268 : vector<16xi32>
    %sub3A_270 = arith.subi %add3A_260, %mul3A_269 : vector<16xi32>
    %add3A_271 = arith.addi %get3A_253, %shift_right_logical3A_266 : vector<16xi32>
    %shift_right_logical3A_272 = arith.constant 3 : i32
    %shift_right_logical3A_273 = vector.broadcast %shift_right_logical3A_272 : i32 to vector<16xi32>
    %shift_right_logical3A_274 = arith.shrui %sub3A_270, %shift_right_logical3A_273 : vector<16xi32>
    %shift_left3A_275 = arith.constant 17 : i32
    %shift_left3A_276 = vector.broadcast %shift_left3A_275 : i32 to vector<16xi32>
    %shift_left3A_277 = arith.shli %shift_right_logical3A_274, %shift_left3A_276 : vector<16xi32>
    %shift_right_logical3A_278 = arith.constant 7 : i32
    %shift_right_logical3A_279 = vector.broadcast %shift_right_logical3A_278 : i32 to vector<16xi32>
    %shift_right_logical3A_280 = arith.shrui %add3A_271, %shift_right_logical3A_279 : vector<16xi32>
    %shift_left3A_281 = arith.constant 10 : i32
    %shift_left3A_282 = vector.broadcast %shift_left3A_281 : i32 to vector<16xi32>
    %shift_left3A_283 = arith.shli %shift_right_logical3A_280, %shift_left3A_282 : vector<16xi32>
    %add3A_284 = arith.addi %shift_left3A_277, %shift_left3A_283 : vector<16xi32>
    %and3A_285 = arith.constant 7 : i32
    %and3A_286 = vector.broadcast %and3A_285 : i32 to vector<16xi32>
    %and3A_287 = arith.andi %sub3A_270, %and3A_286 : vector<16xi32>
    %shift_left3A_288 = arith.constant 7 : i32
    %shift_left3A_289 = vector.broadcast %shift_left3A_288 : i32 to vector<16xi32>
    %shift_left3A_290 = arith.shli %and3A_287, %shift_left3A_289 : vector<16xi32>
    %add3A_291 = arith.addi %add3A_284, %shift_left3A_290 : vector<16xi32>
    %and3A_292 = arith.constant 127 : i32
    %and3A_293 = vector.broadcast %and3A_292 : i32 to vector<16xi32>
    %and3A_294 = arith.andi %add3A_271, %and3A_293 : vector<16xi32>
    %add3A_295 = arith.addi %add3A_291, %and3A_294 : vector<16xi32>
    %swap3A_296 = arith.constant 0 : i32
    %swap3A_297 = arith.index_cast %swap3A_296 : i32 to index
    %swap3A_298 = arith.constant 80 : index
    %swap3A_299 = tpu.vector_load %arg6[%swap3A_297, %swap3A_298] {strides = array<i32>} : memref<4x128xi32, #tpu.memory_space<vmem>>, vector<1x16xi32>,
    %swap3A_300 = vector.shape_cast %swap3A_299 : vector<1x16xi32> to vector<16xi32>
    %swap3A_301 = vector.shape_cast %add3A_295 : vector<16xi32> to vector<1x16xi32>
    tpu.vector_store %arg6[%swap3A_297, %swap3A_298], %swap3A_301 {strides = array<i32>} : memref<4x128xi32, #tpu.memory_space<vmem>>, vector<1x16xi32>,
    %get3A_302 = arith.constant 96 : index
    %get3A_303 = tpu.vector_load %arg5[%get3A_302] {strides = array<i32>} : memref<512xi32, #tpu.memory_space<vmem>>, vector<16xi32>,
    %get3A_304 = vector.shape_cast %get3A_303 : vector<16xi32> to vector<16xi32>
    %add3A_305 = arith.constant 0 : i32
    %add3A_306 = arith.addi %mul3A_2, %add3A_305 : i32
    %add3A_307 = arith.constant 96 : i32
    %add3A_308 = arith.addi %add3A_306, %add3A_307 : i32
    %iota3A_309 = tpu.iota {dimensions = array<i32: 0>} : vector<16xi32>
    %add3A_310 = vector.broadcast %add3A_308 : i32 to vector<16xi32>
    %add3A_311 = arith.addi %add3A_310, %iota3A_309 : vector<16xi32>
    %mul3A_312 = arith.constant 67109 : i32
    %mul3A_313 = vector.broadcast %mul3A_312 : i32 to vector<16xi32>
    %mul3A_314 = arith.muli %add3A_311, %mul3A_313 : vector<16xi32>
    %shift_right_logical3A_315 = arith.constant 26 : i32
    %shift_right_logical3A_316 = vector.broadcast %shift_right_logical3A_315 : i32 to vector<16xi32>
    %shift_right_logical3A_317 = arith.shrui %mul3A_314, %shift_right_logical3A_316 : vector<16xi32>
    %mul3A_318 = arith.constant 1000 : i32
    %mul3A_319 = vector.broadcast %mul3A_318 : i32 to vector<16xi32>
    %mul3A_320 = arith.muli %shift_right_logical3A_317, %mul3A_319 : vector<16xi32>
    %sub3A_321 = arith.subi %add3A_311, %mul3A_320 : vector<16xi32>
    %add3A_322 = arith.addi %get3A_304, %shift_right_logical3A_317 : vector<16xi32>
    %shift_right_logical3A_323 = arith.constant 3 : i32
    %shift_right_logical3A_324 = vector.broadcast %shift_right_logical3A_323 : i32 to vector<16xi32>
    %shift_right_logical3A_325 = arith.shrui %sub3A_321, %shift_right_logical3A_324 : vector<16xi32>
    %shift_left3A_326 = arith.constant 17 : i32
    %shift_left3A_327 = vector.broadcast %shift_left3A_326 : i32 to vector<16xi32>
    %shift_left3A_328 = arith.shli %shift_right_logical3A_325, %shift_left3A_327 : vector<16xi32>
    %shift_right_logical3A_329 = arith.constant 7 : i32
    %shift_right_logical3A_330 = vector.broadcast %shift_right_logical3A_329 : i32 to vector<16xi32>
    %shift_right_logical3A_331 = arith.shrui %add3A_322, %shift_right_logical3A_330 : vector<16xi32>
    %shift_left3A_332 = arith.constant 10 : i32
    %shift_left3A_333 = vector.broadcast %shift_left3A_332 : i32 to vector<16xi32>
    %shift_left3A_334 = arith.shli %shift_right_logical3A_331, %shift_left3A_333 : vector<16xi32>
    %add3A_335 = arith.addi %shift_left3A_328, %shift_left3A_334 : vector<16xi32>
    %and3A_336 = arith.constant 7 : i32
    %and3A_337 = vector.broadcast %and3A_336 : i32 to vector<16xi32>
    %and3A_338 = arith.andi %sub3A_321, %and3A_337 : vector<16xi32>
    %shift_left3A_339 = arith.constant 7 : i32
    %shift_left3A_340 = vector.broadcast %shift_left3A_339 : i32 to vector<16xi32>
    %shift_left3A_341 = arith.shli %and3A_338, %shift_left3A_340 : vector<16xi32>
    %add3A_342 = arith.addi %add3A_335, %shift_left3A_341 : vector<16xi32>
    %and3A_343 = arith.constant 127 : i32
    %and3A_344 = vector.broadcast %and3A_343 : i32 to vector<16xi32>
    %and3A_345 = arith.andi %add3A_322, %and3A_344 : vector<16xi32>
    %add3A_346 = arith.addi %add3A_342, %and3A_345 : vector<16xi32>
    %swap3A_347 = arith.constant 0 : i32
    %swap3A_348 = arith.index_cast %swap3A_347 : i32 to index
    %swap3A_349 = arith.constant 96 : index
    %swap3A_350 = tpu.vector_load %arg6[%swap3A_348, %swap3A_349] {strides = array<i32>} : memref<4x128xi32, #tpu.memory_space<vmem>>, vector<1x16xi32>,
    %swap3A_351 = vector.shape_cast %swap3A_350 : vector<1x16xi32> to vector<16xi32>
    %swap3A_352 = vector.shape_cast %add3A_346 : vector<16xi32> to vector<1x16xi32>
    tpu.vector_store %arg6[%swap3A_348, %swap3A_349], %swap3A_352 {strides = array<i32>} : memref<4x128xi32, #tpu.memory_space<vmem>>, vector<1x16xi32>,
    %get3A_353 = arith.constant 112 : index
    %get3A_354 = tpu.vector_load %arg5[%get3A_353] {strides = array<i32>} : memref<512xi32, #tpu.memory_space<vmem>>, vector<16xi32>,
    %get3A_355 = vector.shape_cast %get3A_354 : vector<16xi32> to vector<16xi32>
    %add3A_356 = arith.constant 0 : i32
    %add3A_357 = arith.addi %mul3A_2, %add3A_356 : i32
    %add3A_358 = arith.constant 112 : i32
    %add3A_359 = arith.addi %add3A_357, %add3A_358 : i32
    %iota3A_360 = tpu.iota {dimensions = array<i32: 0>} : vector<16xi32>
    %add3A_361 = vector.broadcast %add3A_359 : i32 to vector<16xi32>
    %add3A_362 = arith.addi %add3A_361, %iota3A_360 : vector<16xi32>
    %mul3A_363 = arith.constant 67109 : i32
    %mul3A_364 = vector.broadcast %mul3A_363 : i32 to vector<16xi32>
    %mul3A_365 = arith.muli %add3A_362, %mul3A_364 : vector<16xi32>
    %shift_right_logical3A_366 = arith.constant 26 : i32
    %shift_right_logical3A_367 = vector.broadcast %shift_right_logical3A_366 : i32 to vector<16xi32>
    %shift_right_logical3A_368 = arith.shrui %mul3A_365, %shift_right_logical3A_367 : vector<16xi32>
    %mul3A_369 = arith.constant 1000 : i32
    %mul3A_370 = vector.broadcast %mul3A_369 : i32 to vector<16xi32>
    %mul3A_371 = arith.muli %shift_right_logical3A_368, %mul3A_370 : vector<16xi32>
    %sub3A_372 = arith.subi %add3A_362, %mul3A_371 : vector<16xi32>
    %add3A_373 = arith.addi %get3A_355, %shift_right_logical3A_368 : vector<16xi32>
    %shift_right_logical3A_374 = arith.constant 3 : i32
    %shift_right_logical3A_375 = vector.broadcast %shift_right_logical3A_374 : i32 to vector<16xi32>
    %shift_right_logical3A_376 = arith.shrui %sub3A_372, %shift_right_logical3A_375 : vector<16xi32>
    %shift_left3A_377 = arith.constant 17 : i32
    %shift_left3A_378 = vector.broadcast %shift_left3A_377 : i32 to vector<16xi32>
    %shift_left3A_379 = arith.shli %shift_right_logical3A_376, %shift_left3A_378 : vector<16xi32>
    %shift_right_logical3A_380 = arith.constant 7 : i32
    %shift_right_logical3A_381 = vector.broadcast %shift_right_logical3A_380 : i32 to vector<16xi32>
    %shift_right_logical3A_382 = arith.shrui %add3A_373, %shift_right_logical3A_381 : vector<16xi32>
    %shift_left3A_383 = arith.constant 10 : i32
    %shift_left3A_384 = vector.broadcast %shift_left3A_383 : i32 to vector<16xi32>
    %shift_left3A_385 = arith.shli %shift_right_logical3A_382, %shift_left3A_384 : vector<16xi32>
    %add3A_386 = arith.addi %shift_left3A_379, %shift_left3A_385 : vector<16xi32>
    %and3A_387 = arith.constant 7 : i32
    %and3A_388 = vector.broadcast %and3A_387 : i32 to vector<16xi32>
    %and3A_389 = arith.andi %sub3A_372, %and3A_388 : vector<16xi32>
    %shift_left3A_390 = arith.constant 7 : i32
    %shift_left3A_391 = vector.broadcast %shift_left3A_390 : i32 to vector<16xi32>
    %shift_left3A_392 = arith.shli %and3A_389, %shift_left3A_391 : vector<16xi32>
    %add3A_393 = arith.addi %add3A_386, %shift_left3A_392 : vector<16xi32>
    %and3A_394 = arith.constant 127 : i32
    %and3A_395 = vector.broadcast %and3A_394 : i32 to vector<16xi32>
    %and3A_396 = arith.andi %add3A_373, %and3A_395 : vector<16xi32>
    %add3A_397 = arith.addi %add3A_393, %and3A_396 : vector<16xi32>
    %swap3A_398 = arith.constant 0 : i32
    %swap3A_399 = arith.index_cast %swap3A_398 : i32 to index
    %swap3A_400 = arith.constant 112 : index
    %swap3A_401 = tpu.vector_load %arg6[%swap3A_399, %swap3A_400] {strides = array<i32>} : memref<4x128xi32, #tpu.memory_space<vmem>>, vector<1x16xi32>,
    %swap3A_402 = vector.shape_cast %swap3A_401 : vector<1x16xi32> to vector<16xi32>
    %swap3A_403 = vector.shape_cast %add3A_397 : vector<16xi32> to vector<1x16xi32>
    tpu.vector_store %arg6[%swap3A_399, %swap3A_400], %swap3A_403 {strides = array<i32>} : memref<4x128xi32, #tpu.memory_space<vmem>>, vector<1x16xi32>,
    %dma_start3A = arith.constant 0 : i32
    %dma_start3A_404 = arith.constant 0 : i32
    %dma_start3A_405 = arith.constant 0 : i32
    %dma_start3A_406 = tpu.memref_slice %arg7[%dma_start3A_404, %dma_start3A_405] : memref<4x128xf32, #tpu.memory_space<vmem>> -> memref<1x128xf32, #tpu.memory_space<vmem>>
    %dma_start3A_407 = tpu.memref_squeeze %dma_start3A_406 : memref<1x128xf32, #tpu.memory_space<vmem>> -> memref<128xf32, #tpu.memory_space<vmem>>
    %dma_start3A_408 = arith.constant 0 : i32
    %dma_start3A_409 = tpu.memref_slice %arg6[%dma_start3A, %dma_start3A_408] : memref<4x128xi32, #tpu.memory_space<vmem>> -> memref<1x128xi32, #tpu.memory_space<vmem>>
    %dma_start3A_410 = tpu.memref_squeeze %dma_start3A_409 : memref<1x128xi32, #tpu.memory_space<vmem>> -> memref<128xi32, #tpu.memory_space<vmem>>
    %dma_start3A_411 = arith.constant 0 : i32
    %dma_start3A_412 = tpu.memref_slice %arg2[%dma_start3A_411] : memref<16384000xf32, #tpu.memory_space<hbm>> -> memref<16384000xf32, #tpu.memory_space<hbm>>
    tpu.enqueue_indirect_dma source(%dma_start3A_412 : memref<16384000xf32, #tpu.memory_space<hbm>>) target(%dma_start3A_407 : memref<128xf32, #tpu.memory_space<vmem>>) offsets(%dma_start3A_410 : memref<128xi32, #tpu.memory_space<vmem>>) semaphore(%arg9 : memref<!tpu.dma_semaphore, #tpu.memory_space<semaphore_mem>>)
    %get3A_413 = arith.constant 128 : index
    %get3A_414 = tpu.vector_load %arg5[%get3A_413] {strides = array<i32>} : memref<512xi32, #tpu.memory_space<vmem>>, vector<16xi32>,
    %get3A_415 = vector.shape_cast %get3A_414 : vector<16xi32> to vector<16xi32>
    %add3A_416 = arith.constant 128 : i32
    %add3A_417 = arith.addi %mul3A_2, %add3A_416 : i32
    %add3A_418 = arith.constant 0 : i32
    %add3A_419 = arith.addi %add3A_417, %add3A_418 : i32
    %iota3A_420 = tpu.iota {dimensions = array<i32: 0>} : vector<16xi32>
    %add3A_421 = vector.broadcast %add3A_419 : i32 to vector<16xi32>
    %add3A_422 = arith.addi %add3A_421, %iota3A_420 : vector<16xi32>
    %mul3A_423 = arith.constant 67109 : i32
    %mul3A_424 = vector.broadcast %mul3A_423 : i32 to vector<16xi32>
    %mul3A_425 = arith.muli %add3A_422, %mul3A_424 : vector<16xi32>
    %shift_right_logical3A_426 = arith.constant 26 : i32
    %shift_right_logical3A_427 = vector.broadcast %shift_right_logical3A_426 : i32 to vector<16xi32>
    %shift_right_logical3A_428 = arith.shrui %mul3A_425, %shift_right_logical3A_427 : vector<16xi32>
    %mul3A_429 = arith.constant 1000 : i32
    %mul3A_430 = vector.broadcast %mul3A_429 : i32 to vector<16xi32>
    %mul3A_431 = arith.muli %shift_right_logical3A_428, %mul3A_430 : vector<16xi32>
    %sub3A_432 = arith.subi %add3A_422, %mul3A_431 : vector<16xi32>
    %add3A_433 = arith.addi %get3A_415, %shift_right_logical3A_428 : vector<16xi32>
    %shift_right_logical3A_434 = arith.constant 3 : i32
    %shift_right_logical3A_435 = vector.broadcast %shift_right_logical3A_434 : i32 to vector<16xi32>
    %shift_right_logical3A_436 = arith.shrui %sub3A_432, %shift_right_logical3A_435 : vector<16xi32>
    %shift_left3A_437 = arith.constant 17 : i32
    %shift_left3A_438 = vector.broadcast %shift_left3A_437 : i32 to vector<16xi32>
    %shift_left3A_439 = arith.shli %shift_right_logical3A_436, %shift_left3A_438 : vector<16xi32>
    %shift_right_logical3A_440 = arith.constant 7 : i32
    %shift_right_logical3A_441 = vector.broadcast %shift_right_logical3A_440 : i32 to vector<16xi32>
    %shift_right_logical3A_442 = arith.shrui %add3A_433, %shift_right_logical3A_441 : vector<16xi32>
    %shift_left3A_443 = arith.constant 10 : i32
    %shift_left3A_444 = vector.broadcast %shift_left3A_443 : i32 to vector<16xi32>
    %shift_left3A_445 = arith.shli %shift_right_logical3A_442, %shift_left3A_444 : vector<16xi32>
    %add3A_446 = arith.addi %shift_left3A_439, %shift_left3A_445 : vector<16xi32>
    %and3A_447 = arith.constant 7 : i32
    %and3A_448 = vector.broadcast %and3A_447 : i32 to vector<16xi32>
    %and3A_449 = arith.andi %sub3A_432, %and3A_448 : vector<16xi32>
    %shift_left3A_450 = arith.constant 7 : i32
    %shift_left3A_451 = vector.broadcast %shift_left3A_450 : i32 to vector<16xi32>
    %shift_left3A_452 = arith.shli %and3A_449, %shift_left3A_451 : vector<16xi32>
    %add3A_453 = arith.addi %add3A_446, %shift_left3A_452 : vector<16xi32>
    %and3A_454 = arith.constant 127 : i32
    %and3A_455 = vector.broadcast %and3A_454 : i32 to vector<16xi32>
    %and3A_456 = arith.andi %add3A_433, %and3A_455 : vector<16xi32>
    %add3A_457 = arith.addi %add3A_453, %and3A_456 : vector<16xi32>
    %swap3A_458 = arith.constant 1 : i32
    %swap3A_459 = arith.index_cast %swap3A_458 : i32 to index
    %swap3A_460 = arith.constant 0 : index
    %swap3A_461 = tpu.vector_load %arg6[%swap3A_459, %swap3A_460] {strides = array<i32>} : memref<4x128xi32, #tpu.memory_space<vmem>>, vector<1x16xi32>,
    %swap3A_462 = vector.shape_cast %swap3A_461 : vector<1x16xi32> to vector<16xi32>
    %swap3A_463 = vector.shape_cast %add3A_457 : vector<16xi32> to vector<1x16xi32>
    tpu.vector_store %arg6[%swap3A_459, %swap3A_460], %swap3A_463 {strides = array<i32>} : memref<4x128xi32, #tpu.memory_space<vmem>>, vector<1x16xi32>,
    %get3A_464 = arith.constant 144 : index
    %get3A_465 = tpu.vector_load %arg5[%get3A_464] {strides = array<i32>} : memref<512xi32, #tpu.memory_space<vmem>>, vector<16xi32>,
    %get3A_466 = vector.shape_cast %get3A_465 : vector<16xi32> to vector<16xi32>
    %add3A_467 = arith.constant 128 : i32
    %add3A_468 = arith.addi %mul3A_2, %add3A_467 : i32
    %add3A_469 = arith.constant 16 : i32
    %add3A_470 = arith.addi %add3A_468, %add3A_469 : i32
    %iota3A_471 = tpu.iota {dimensions = array<i32: 0>} : vector<16xi32>
    %add3A_472 = vector.broadcast %add3A_470 : i32 to vector<16xi32>
    %add3A_473 = arith.addi %add3A_472, %iota3A_471 : vector<16xi32>
    %mul3A_474 = arith.constant 67109 : i32
    %mul3A_475 = vector.broadcast %mul3A_474 : i32 to vector<16xi32>
    %mul3A_476 = arith.muli %add3A_473, %mul3A_475 : vector<16xi32>
    %shift_right_logical3A_477 = arith.constant 26 : i32
    %shift_right_logical3A_478 = vector.broadcast %shift_right_logical3A_477 : i32 to vector<16xi32>
    %shift_right_logical3A_479 = arith.shrui %mul3A_476, %shift_right_logical3A_478 : vector<16xi32>
    %mul3A_480 = arith.constant 1000 : i32
    %mul3A_481 = vector.broadcast %mul3A_480 : i32 to vector<16xi32>
    %mul3A_482 = arith.muli %shift_right_logical3A_479, %mul3A_481 : vector<16xi32>
    %sub3A_483 = arith.subi %add3A_473, %mul3A_482 : vector<16xi32>
    %add3A_484 = arith.addi %get3A_466, %shift_right_logical3A_479 : vector<16xi32>
    %shift_right_logical3A_485 = arith.constant 3 : i32
    %shift_right_logical3A_486 = vector.broadcast %shift_right_logical3A_485 : i32 to vector<16xi32>
    %shift_right_logical3A_487 = arith.shrui %sub3A_483, %shift_right_logical3A_486 : vector<16xi32>
    %shift_left3A_488 = arith.constant 17 : i32
    %shift_left3A_489 = vector.broadcast %shift_left3A_488 : i32 to vector<16xi32>
    %shift_left3A_490 = arith.shli %shift_right_logical3A_487, %shift_left3A_489 : vector<16xi32>
    %shift_right_logical3A_491 = arith.constant 7 : i32
    %shift_right_logical3A_492 = vector.broadcast %shift_right_logical3A_491 : i32 to vector<16xi32>
    %shift_right_logical3A_493 = arith.shrui %add3A_484, %shift_right_logical3A_492 : vector<16xi32>
    %shift_left3A_494 = arith.constant 10 : i32
    %shift_left3A_495 = vector.broadcast %shift_left3A_494 : i32 to vector<16xi32>
    %shift_left3A_496 = arith.shli %shift_right_logical3A_493, %shift_left3A_495 : vector<16xi32>
    %add3A_497 = arith.addi %shift_left3A_490, %shift_left3A_496 : vector<16xi32>
    %and3A_498 = arith.constant 7 : i32
    %and3A_499 = vector.broadcast %and3A_498 : i32 to vector<16xi32>
    %and3A_500 = arith.andi %sub3A_483, %and3A_499 : vector<16xi32>
    %shift_left3A_501 = arith.constant 7 : i32
    %shift_left3A_502 = vector.broadcast %shift_left3A_501 : i32 to vector<16xi32>
    %shift_left3A_503 = arith.shli %and3A_500, %shift_left3A_502 : vector<16xi32>
    %add3A_504 = arith.addi %add3A_497, %shift_left3A_503 : vector<16xi32>
    %and3A_505 = arith.constant 127 : i32
    %and3A_506 = vector.broadcast %and3A_505 : i32 to vector<16xi32>
    %and3A_507 = arith.andi %add3A_484, %and3A_506 : vector<16xi32>
    %add3A_508 = arith.addi %add3A_504, %and3A_507 : vector<16xi32>
    %swap3A_509 = arith.constant 1 : i32
    %swap3A_510 = arith.index_cast %swap3A_509 : i32 to index
    %swap3A_511 = arith.constant 16 : index
    %swap3A_512 = tpu.vector_load %arg6[%swap3A_510, %swap3A_511] {strides = array<i32>} : memref<4x128xi32, #tpu.memory_space<vmem>>, vector<1x16xi32>,
    %swap3A_513 = vector.shape_cast %swap3A_512 : vector<1x16xi32> to vector<16xi32>
    %swap3A_514 = vector.shape_cast %add3A_508 : vector<16xi32> to vector<1x16xi32>
    tpu.vector_store %arg6[%swap3A_510, %swap3A_511], %swap3A_514 {strides = array<i32>} : memref<4x128xi32, #tpu.memory_space<vmem>>, vector<1x16xi32>,
    %get3A_515 = arith.constant 160 : index
    %get3A_516 = tpu.vector_load %arg5[%get3A_515] {strides = array<i32>} : memref<512xi32, #tpu.memory_space<vmem>>, vector<16xi32>,
    %get3A_517 = vector.shape_cast %get3A_516 : vector<16xi32> to vector<16xi32>
    %add3A_518 = arith.constant 128 : i32
    %add3A_519 = arith.addi %mul3A_2, %add3A_518 : i32
    %add3A_520 = arith.constant 32 : i32
    %add3A_521 = arith.addi %add3A_519, %add3A_520 : i32
    %iota3A_522 = tpu.iota {dimensions = array<i32: 0>} : vector<16xi32>
    %add3A_523 = vector.broadcast %add3A_521 : i32 to vector<16xi32>
    %add3A_524 = arith.addi %add3A_523, %iota3A_522 : vector<16xi32>
    %mul3A_525 = arith.constant 67109 : i32
    %mul3A_526 = vector.broadcast %mul3A_525 : i32 to vector<16xi32>
    %mul3A_527 = arith.muli %add3A_524, %mul3A_526 : vector<16xi32>
    %shift_right_logical3A_528 = arith.constant 26 : i32
    %shift_right_logical3A_529 = vector.broadcast %shift_right_logical3A_528 : i32 to vector<16xi32>
    %shift_right_logical3A_530 = arith.shrui %mul3A_527, %shift_right_logical3A_529 : vector<16xi32>
    %mul3A_531 = arith.constant 1000 : i32
    %mul3A_532 = vector.broadcast %mul3A_531 : i32 to vector<16xi32>
    %mul3A_533 = arith.muli %shift_right_logical3A_530, %mul3A_532 : vector<16xi32>
    %sub3A_534 = arith.subi %add3A_524, %mul3A_533 : vector<16xi32>
    %add3A_535 = arith.addi %get3A_517, %shift_right_logical3A_530 : vector<16xi32>
    %shift_right_logical3A_536 = arith.constant 3 : i32
    %shift_right_logical3A_537 = vector.broadcast %shift_right_logical3A_536 : i32 to vector<16xi32>
    %shift_right_logical3A_538 = arith.shrui %sub3A_534, %shift_right_logical3A_537 : vector<16xi32>
    %shift_left3A_539 = arith.constant 17 : i32
    %shift_left3A_540 = vector.broadcast %shift_left3A_539 : i32 to vector<16xi32>
    %shift_left3A_541 = arith.shli %shift_right_logical3A_538, %shift_left3A_540 : vector<16xi32>
    %shift_right_logical3A_542 = arith.constant 7 : i32
    %shift_right_logical3A_543 = vector.broadcast %shift_right_logical3A_542 : i32 to vector<16xi32>
    %shift_right_logical3A_544 = arith.shrui %add3A_535, %shift_right_logical3A_543 : vector<16xi32>
    %shift_left3A_545 = arith.constant 10 : i32
    %shift_left3A_546 = vector.broadcast %shift_left3A_545 : i32 to vector<16xi32>
    %shift_left3A_547 = arith.shli %shift_right_logical3A_544, %shift_left3A_546 : vector<16xi32>
    %add3A_548 = arith.addi %shift_left3A_541, %shift_left3A_547 : vector<16xi32>
    %and3A_549 = arith.constant 7 : i32
    %and3A_550 = vector.broadcast %and3A_549 : i32 to vector<16xi32>
    %and3A_551 = arith.andi %sub3A_534, %and3A_550 : vector<16xi32>
    %shift_left3A_552 = arith.constant 7 : i32
    %shift_left3A_553 = vector.broadcast %shift_left3A_552 : i32 to vector<16xi32>
    %shift_left3A_554 = arith.shli %and3A_551, %shift_left3A_553 : vector<16xi32>
    %add3A_555 = arith.addi %add3A_548, %shift_left3A_554 : vector<16xi32>
    %and3A_556 = arith.constant 127 : i32
    %and3A_557 = vector.broadcast %and3A_556 : i32 to vector<16xi32>
    %and3A_558 = arith.andi %add3A_535, %and3A_557 : vector<16xi32>
    %add3A_559 = arith.addi %add3A_555, %and3A_558 : vector<16xi32>
    %swap3A_560 = arith.constant 1 : i32
    %swap3A_561 = arith.index_cast %swap3A_560 : i32 to index
    %swap3A_562 = arith.constant 32 : index
    %swap3A_563 = tpu.vector_load %arg6[%swap3A_561, %swap3A_562] {strides = array<i32>} : memref<4x128xi32, #tpu.memory_space<vmem>>, vector<1x16xi32>,
    %swap3A_564 = vector.shape_cast %swap3A_563 : vector<1x16xi32> to vector<16xi32>
    %swap3A_565 = vector.shape_cast %add3A_559 : vector<16xi32> to vector<1x16xi32>
    tpu.vector_store %arg6[%swap3A_561, %swap3A_562], %swap3A_565 {strides = array<i32>} : memref<4x128xi32, #tpu.memory_space<vmem>>, vector<1x16xi32>,
    %get3A_566 = arith.constant 176 : index
    %get3A_567 = tpu.vector_load %arg5[%get3A_566] {strides = array<i32>} : memref<512xi32, #tpu.memory_space<vmem>>, vector<16xi32>,
    %get3A_568 = vector.shape_cast %get3A_567 : vector<16xi32> to vector<16xi32>
    %add3A_569 = arith.constant 128 : i32
    %add3A_570 = arith.addi %mul3A_2, %add3A_569 : i32
    %add3A_571 = arith.constant 48 : i32
    %add3A_572 = arith.addi %add3A_570, %add3A_571 : i32
    %iota3A_573 = tpu.iota {dimensions = array<i32: 0>} : vector<16xi32>
    %add3A_574 = vector.broadcast %add3A_572 : i32 to vector<16xi32>
    %add3A_575 = arith.addi %add3A_574, %iota3A_573 : vector<16xi32>
    %mul3A_576 = arith.constant 67109 : i32
    %mul3A_577 = vector.broadcast %mul3A_576 : i32 to vector<16xi32>
    %mul3A_578 = arith.muli %add3A_575, %mul3A_577 : vector<16xi32>
    %shift_right_logical3A_579 = arith.constant 26 : i32
    %shift_right_logical3A_580 = vector.broadcast %shift_right_logical3A_579 : i32 to vector<16xi32>
    %shift_right_logical3A_581 = arith.shrui %mul3A_578, %shift_right_logical3A_580 : vector<16xi32>
    %mul3A_582 = arith.constant 1000 : i32
    %mul3A_583 = vector.broadcast %mul3A_582 : i32 to vector<16xi32>
    %mul3A_584 = arith.muli %shift_right_logical3A_581, %mul3A_583 : vector<16xi32>
    %sub3A_585 = arith.subi %add3A_575, %mul3A_584 : vector<16xi32>
    %add3A_586 = arith.addi %get3A_568, %shift_right_logical3A_581 : vector<16xi32>
    %shift_right_logical3A_587 = arith.constant 3 : i32
    %shift_right_logical3A_588 = vector.broadcast %shift_right_logical3A_587 : i32 to vector<16xi32>
    %shift_right_logical3A_589 = arith.shrui %sub3A_585, %shift_right_logical3A_588 : vector<16xi32>
    %shift_left3A_590 = arith.constant 17 : i32
    %shift_left3A_591 = vector.broadcast %shift_left3A_590 : i32 to vector<16xi32>
    %shift_left3A_592 = arith.shli %shift_right_logical3A_589, %shift_left3A_591 : vector<16xi32>
    %shift_right_logical3A_593 = arith.constant 7 : i32
    %shift_right_logical3A_594 = vector.broadcast %shift_right_logical3A_593 : i32 to vector<16xi32>
    %shift_right_logical3A_595 = arith.shrui %add3A_586, %shift_right_logical3A_594 : vector<16xi32>
    %shift_left3A_596 = arith.constant 10 : i32
    %shift_left3A_597 = vector.broadcast %shift_left3A_596 : i32 to vector<16xi32>
    %shift_left3A_598 = arith.shli %shift_right_logical3A_595, %shift_left3A_597 : vector<16xi32>
    %add3A_599 = arith.addi %shift_left3A_592, %shift_left3A_598 : vector<16xi32>
    %and3A_600 = arith.constant 7 : i32
    %and3A_601 = vector.broadcast %and3A_600 : i32 to vector<16xi32>
    %and3A_602 = arith.andi %sub3A_585, %and3A_601 : vector<16xi32>
    %shift_left3A_603 = arith.constant 7 : i32
    %shift_left3A_604 = vector.broadcast %shift_left3A_603 : i32 to vector<16xi32>
    %shift_left3A_605 = arith.shli %and3A_602, %shift_left3A_604 : vector<16xi32>
    %add3A_606 = arith.addi %add3A_599, %shift_left3A_605 : vector<16xi32>
    %and3A_607 = arith.constant 127 : i32
    %and3A_608 = vector.broadcast %and3A_607 : i32 to vector<16xi32>
    %and3A_609 = arith.andi %add3A_586, %and3A_608 : vector<16xi32>
    %add3A_610 = arith.addi %add3A_606, %and3A_609 : vector<16xi32>
    %swap3A_611 = arith.constant 1 : i32
    %swap3A_612 = arith.index_cast %swap3A_611 : i32 to index
    %swap3A_613 = arith.constant 48 : index
    %swap3A_614 = tpu.vector_load %arg6[%swap3A_612, %swap3A_613] {strides = array<i32>} : memref<4x128xi32, #tpu.memory_space<vmem>>, vector<1x16xi32>,
    %swap3A_615 = vector.shape_cast %swap3A_614 : vector<1x16xi32> to vector<16xi32>
    %swap3A_616 = vector.shape_cast %add3A_610 : vector<16xi32> to vector<1x16xi32>
    tpu.vector_store %arg6[%swap3A_612, %swap3A_613], %swap3A_616 {strides = array<i32>} : memref<4x128xi32, #tpu.memory_space<vmem>>, vector<1x16xi32>,
    %get3A_617 = arith.constant 192 : index
    %get3A_618 = tpu.vector_load %arg5[%get3A_617] {strides = array<i32>} : memref<512xi32, #tpu.memory_space<vmem>>, vector<16xi32>,
    %get3A_619 = vector.shape_cast %get3A_618 : vector<16xi32> to vector<16xi32>
    %add3A_620 = arith.constant 128 : i32
    %add3A_621 = arith.addi %mul3A_2, %add3A_620 : i32
    %add3A_622 = arith.constant 64 : i32
    %add3A_623 = arith.addi %add3A_621, %add3A_622 : i32
    %iota3A_624 = tpu.iota {dimensions = array<i32: 0>} : vector<16xi32>
    %add3A_625 = vector.broadcast %add3A_623 : i32 to vector<16xi32>
    %add3A_626 = arith.addi %add3A_625, %iota3A_624 : vector<16xi32>
    %mul3A_627 = arith.constant 67109 : i32
    %mul3A_628 = vector.broadcast %mul3A_627 : i32 to vector<16xi32>
    %mul3A_629 = arith.muli %add3A_626, %mul3A_628 : vector<16xi32>
    %shift_right_logical3A_630 = arith.constant 26 : i32
    %shift_right_logical3A_631 = vector.broadcast %shift_right_logical3A_630 : i32 to vector<16xi32>
    %shift_right_logical3A_632 = arith.shrui %mul3A_629, %shift_right_logical3A_631 : vector<16xi32>
    %mul3A_633 = arith.constant 1000 : i32
    %mul3A_634 = vector.broadcast %mul3A_633 : i32 to vector<16xi32>
    %mul3A_635 = arith.muli %shift_right_logical3A_632, %mul3A_634 : vector<16xi32>
    %sub3A_636 = arith.subi %add3A_626, %mul3A_635 : vector<16xi32>
    %add3A_637 = arith.addi %get3A_619, %shift_right_logical3A_632 : vector<16xi32>
    %shift_right_logical3A_638 = arith.constant 3 : i32
    %shift_right_logical3A_639 = vector.broadcast %shift_right_logical3A_638 : i32 to vector<16xi32>
    %shift_right_logical3A_640 = arith.shrui %sub3A_636, %shift_right_logical3A_639 : vector<16xi32>
    %shift_left3A_641 = arith.constant 17 : i32
    %shift_left3A_642 = vector.broadcast %shift_left3A_641 : i32 to vector<16xi32>
    %shift_left3A_643 = arith.shli %shift_right_logical3A_640, %shift_left3A_642 : vector<16xi32>
    %shift_right_logical3A_644 = arith.constant 7 : i32
    %shift_right_logical3A_645 = vector.broadcast %shift_right_logical3A_644 : i32 to vector<16xi32>
    %shift_right_logical3A_646 = arith.shrui %add3A_637, %shift_right_logical3A_645 : vector<16xi32>
    %shift_left3A_647 = arith.constant 10 : i32
    %shift_left3A_648 = vector.broadcast %shift_left3A_647 : i32 to vector<16xi32>
    %shift_left3A_649 = arith.shli %shift_right_logical3A_646, %shift_left3A_648 : vector<16xi32>
    %add3A_650 = arith.addi %shift_left3A_643, %shift_left3A_649 : vector<16xi32>
    %and3A_651 = arith.constant 7 : i32
    %and3A_652 = vector.broadcast %and3A_651 : i32 to vector<16xi32>
    %and3A_653 = arith.andi %sub3A_636, %and3A_652 : vector<16xi32>
    %shift_left3A_654 = arith.constant 7 : i32
    %shift_left3A_655 = vector.broadcast %shift_left3A_654 : i32 to vector<16xi32>
    %shift_left3A_656 = arith.shli %and3A_653, %shift_left3A_655 : vector<16xi32>
    %add3A_657 = arith.addi %add3A_650, %shift_left3A_656 : vector<16xi32>
    %and3A_658 = arith.constant 127 : i32
    %and3A_659 = vector.broadcast %and3A_658 : i32 to vector<16xi32>
    %and3A_660 = arith.andi %add3A_637, %and3A_659 : vector<16xi32>
    %add3A_661 = arith.addi %add3A_657, %and3A_660 : vector<16xi32>
    %swap3A_662 = arith.constant 1 : i32
    %swap3A_663 = arith.index_cast %swap3A_662 : i32 to index
    %swap3A_664 = arith.constant 64 : index
    %swap3A_665 = tpu.vector_load %arg6[%swap3A_663, %swap3A_664] {strides = array<i32>} : memref<4x128xi32, #tpu.memory_space<vmem>>, vector<1x16xi32>,
    %swap3A_666 = vector.shape_cast %swap3A_665 : vector<1x16xi32> to vector<16xi32>
    %swap3A_667 = vector.shape_cast %add3A_661 : vector<16xi32> to vector<1x16xi32>
    tpu.vector_store %arg6[%swap3A_663, %swap3A_664], %swap3A_667 {strides = array<i32>} : memref<4x128xi32, #tpu.memory_space<vmem>>, vector<1x16xi32>,
    %get3A_668 = arith.constant 208 : index
    %get3A_669 = tpu.vector_load %arg5[%get3A_668] {strides = array<i32>} : memref<512xi32, #tpu.memory_space<vmem>>, vector<16xi32>,
    %get3A_670 = vector.shape_cast %get3A_669 : vector<16xi32> to vector<16xi32>
    %add3A_671 = arith.constant 128 : i32
    %add3A_672 = arith.addi %mul3A_2, %add3A_671 : i32
    %add3A_673 = arith.constant 80 : i32
    %add3A_674 = arith.addi %add3A_672, %add3A_673 : i32
    %iota3A_675 = tpu.iota {dimensions = array<i32: 0>} : vector<16xi32>
    %add3A_676 = vector.broadcast %add3A_674 : i32 to vector<16xi32>
    %add3A_677 = arith.addi %add3A_676, %iota3A_675 : vector<16xi32>
    %mul3A_678 = arith.constant 67109 : i32
    %mul3A_679 = vector.broadcast %mul3A_678 : i32 to vector<16xi32>
    %mul3A_680 = arith.muli %add3A_677, %mul3A_679 : vector<16xi32>
    %shift_right_logical3A_681 = arith.constant 26 : i32
    %shift_right_logical3A_682 = vector.broadcast %shift_right_logical3A_681 : i32 to vector<16xi32>
    %shift_right_logical3A_683 = arith.shrui %mul3A_680, %shift_right_logical3A_682 : vector<16xi32>
    %mul3A_684 = arith.constant 1000 : i32
    %mul3A_685 = vector.broadcast %mul3A_684 : i32 to vector<16xi32>
    %mul3A_686 = arith.muli %shift_right_logical3A_683, %mul3A_685 : vector<16xi32>
    %sub3A_687 = arith.subi %add3A_677, %mul3A_686 : vector<16xi32>
    %add3A_688 = arith.addi %get3A_670, %shift_right_logical3A_683 : vector<16xi32>
    %shift_right_logical3A_689 = arith.constant 3 : i32
    %shift_right_logical3A_690 = vector.broadcast %shift_right_logical3A_689 : i32 to vector<16xi32>
    %shift_right_logical3A_691 = arith.shrui %sub3A_687, %shift_right_logical3A_690 : vector<16xi32>
    %shift_left3A_692 = arith.constant 17 : i32
    %shift_left3A_693 = vector.broadcast %shift_left3A_692 : i32 to vector<16xi32>
    %shift_left3A_694 = arith.shli %shift_right_logical3A_691, %shift_left3A_693 : vector<16xi32>
    %shift_right_logical3A_695 = arith.constant 7 : i32
    %shift_right_logical3A_696 = vector.broadcast %shift_right_logical3A_695 : i32 to vector<16xi32>
    %shift_right_logical3A_697 = arith.shrui %add3A_688, %shift_right_logical3A_696 : vector<16xi32>
    %shift_left3A_698 = arith.constant 10 : i32
    %shift_left3A_699 = vector.broadcast %shift_left3A_698 : i32 to vector<16xi32>
    %shift_left3A_700 = arith.shli %shift_right_logical3A_697, %shift_left3A_699 : vector<16xi32>
    %add3A_701 = arith.addi %shift_left3A_694, %shift_left3A_700 : vector<16xi32>
    %and3A_702 = arith.constant 7 : i32
    %and3A_703 = vector.broadcast %and3A_702 : i32 to vector<16xi32>
    %and3A_704 = arith.andi %sub3A_687, %and3A_703 : vector<16xi32>
    %shift_left3A_705 = arith.constant 7 : i32
    %shift_left3A_706 = vector.broadcast %shift_left3A_705 : i32 to vector<16xi32>
    %shift_left3A_707 = arith.shli %and3A_704, %shift_left3A_706 : vector<16xi32>
    %add3A_708 = arith.addi %add3A_701, %shift_left3A_707 : vector<16xi32>
    %and3A_709 = arith.constant 127 : i32
    %and3A_710 = vector.broadcast %and3A_709 : i32 to vector<16xi32>
    %and3A_711 = arith.andi %add3A_688, %and3A_710 : vector<16xi32>
    %add3A_712 = arith.addi %add3A_708, %and3A_711 : vector<16xi32>
    %swap3A_713 = arith.constant 1 : i32
    %swap3A_714 = arith.index_cast %swap3A_713 : i32 to index
    %swap3A_715 = arith.constant 80 : index
    %swap3A_716 = tpu.vector_load %arg6[%swap3A_714, %swap3A_715] {strides = array<i32>} : memref<4x128xi32, #tpu.memory_space<vmem>>, vector<1x16xi32>,
    %swap3A_717 = vector.shape_cast %swap3A_716 : vector<1x16xi32> to vector<16xi32>
    %swap3A_718 = vector.shape_cast %add3A_712 : vector<16xi32> to vector<1x16xi32>
    tpu.vector_store %arg6[%swap3A_714, %swap3A_715], %swap3A_718 {strides = array<i32>} : memref<4x128xi32, #tpu.memory_space<vmem>>, vector<1x16xi32>,
    %get3A_719 = arith.constant 224 : index
    %get3A_720 = tpu.vector_load %arg5[%get3A_719] {strides = array<i32>} : memref<512xi32, #tpu.memory_space<vmem>>, vector<16xi32>,
    %get3A_721 = vector.shape_cast %get3A_720 : vector<16xi32> to vector<16xi32>
    %add3A_722 = arith.constant 128 : i32
    %add3A_723 = arith.addi %mul3A_2, %add3A_722 : i32
    %add3A_724 = arith.constant 96 : i32
    %add3A_725 = arith.addi %add3A_723, %add3A_724 : i32
    %iota3A_726 = tpu.iota {dimensions = array<i32: 0>} : vector<16xi32>
    %add3A_727 = vector.broadcast %add3A_725 : i32 to vector<16xi32>
    %add3A_728 = arith.addi %add3A_727, %iota3A_726 : vector<16xi32>
    %mul3A_729 = arith.constant 67109 : i32
    %mul3A_730 = vector.broadcast %mul3A_729 : i32 to vector<16xi32>
    %mul3A_731 = arith.muli %add3A_728, %mul3A_730 : vector<16xi32>
    %shift_right_logical3A_732 = arith.constant 26 : i32
    %shift_right_logical3A_733 = vector.broadcast %shift_right_logical3A_732 : i32 to vector<16xi32>
    %shift_right_logical3A_734 = arith.shrui %mul3A_731, %shift_right_logical3A_733 : vector<16xi32>
    %mul3A_735 = arith.constant 1000 : i32
    %mul3A_736 = vector.broadcast %mul3A_735 : i32 to vector<16xi32>
    %mul3A_737 = arith.muli %shift_right_logical3A_734, %mul3A_736 : vector<16xi32>
    %sub3A_738 = arith.subi %add3A_728, %mul3A_737 : vector<16xi32>
    %add3A_739 = arith.addi %get3A_721, %shift_right_logical3A_734 : vector<16xi32>
    %shift_right_logical3A_740 = arith.constant 3 : i32
    %shift_right_logical3A_741 = vector.broadcast %shift_right_logical3A_740 : i32 to vector<16xi32>
    %shift_right_logical3A_742 = arith.shrui %sub3A_738, %shift_right_logical3A_741 : vector<16xi32>
    %shift_left3A_743 = arith.constant 17 : i32
    %shift_left3A_744 = vector.broadcast %shift_left3A_743 : i32 to vector<16xi32>
    %shift_left3A_745 = arith.shli %shift_right_logical3A_742, %shift_left3A_744 : vector<16xi32>
    %shift_right_logical3A_746 = arith.constant 7 : i32
    %shift_right_logical3A_747 = vector.broadcast %shift_right_logical3A_746 : i32 to vector<16xi32>
    %shift_right_logical3A_748 = arith.shrui %add3A_739, %shift_right_logical3A_747 : vector<16xi32>
    %shift_left3A_749 = arith.constant 10 : i32
    %shift_left3A_750 = vector.broadcast %shift_left3A_749 : i32 to vector<16xi32>
    %shift_left3A_751 = arith.shli %shift_right_logical3A_748, %shift_left3A_750 : vector<16xi32>
    %add3A_752 = arith.addi %shift_left3A_745, %shift_left3A_751 : vector<16xi32>
    %and3A_753 = arith.constant 7 : i32
    %and3A_754 = vector.broadcast %and3A_753 : i32 to vector<16xi32>
    %and3A_755 = arith.andi %sub3A_738, %and3A_754 : vector<16xi32>
    %shift_left3A_756 = arith.constant 7 : i32
    %shift_left3A_757 = vector.broadcast %shift_left3A_756 : i32 to vector<16xi32>
    %shift_left3A_758 = arith.shli %and3A_755, %shift_left3A_757 : vector<16xi32>
    %add3A_759 = arith.addi %add3A_752, %shift_left3A_758 : vector<16xi32>
    %and3A_760 = arith.constant 127 : i32
    %and3A_761 = vector.broadcast %and3A_760 : i32 to vector<16xi32>
    %and3A_762 = arith.andi %add3A_739, %and3A_761 : vector<16xi32>
    %add3A_763 = arith.addi %add3A_759, %and3A_762 : vector<16xi32>
    %swap3A_764 = arith.constant 1 : i32
    %swap3A_765 = arith.index_cast %swap3A_764 : i32 to index
    %swap3A_766 = arith.constant 96 : index
    %swap3A_767 = tpu.vector_load %arg6[%swap3A_765, %swap3A_766] {strides = array<i32>} : memref<4x128xi32, #tpu.memory_space<vmem>>, vector<1x16xi32>,
    %swap3A_768 = vector.shape_cast %swap3A_767 : vector<1x16xi32> to vector<16xi32>
    %swap3A_769 = vector.shape_cast %add3A_763 : vector<16xi32> to vector<1x16xi32>
    tpu.vector_store %arg6[%swap3A_765, %swap3A_766], %swap3A_769 {strides = array<i32>} : memref<4x128xi32, #tpu.memory_space<vmem>>, vector<1x16xi32>,
    %get3A_770 = arith.constant 240 : index
    %get3A_771 = tpu.vector_load %arg5[%get3A_770] {strides = array<i32>} : memref<512xi32, #tpu.memory_space<vmem>>, vector<16xi32>,
    %get3A_772 = vector.shape_cast %get3A_771 : vector<16xi32> to vector<16xi32>
    %add3A_773 = arith.constant 128 : i32
    %add3A_774 = arith.addi %mul3A_2, %add3A_773 : i32
    %add3A_775 = arith.constant 112 : i32
    %add3A_776 = arith.addi %add3A_774, %add3A_775 : i32
    %iota3A_777 = tpu.iota {dimensions = array<i32: 0>} : vector<16xi32>
    %add3A_778 = vector.broadcast %add3A_776 : i32 to vector<16xi32>
    %add3A_779 = arith.addi %add3A_778, %iota3A_777 : vector<16xi32>
    %mul3A_780 = arith.constant 67109 : i32
    %mul3A_781 = vector.broadcast %mul3A_780 : i32 to vector<16xi32>
    %mul3A_782 = arith.muli %add3A_779, %mul3A_781 : vector<16xi32>
    %shift_right_logical3A_783 = arith.constant 26 : i32
    %shift_right_logical3A_784 = vector.broadcast %shift_right_logical3A_783 : i32 to vector<16xi32>
    %shift_right_logical3A_785 = arith.shrui %mul3A_782, %shift_right_logical3A_784 : vector<16xi32>
    %mul3A_786 = arith.constant 1000 : i32
    %mul3A_787 = vector.broadcast %mul3A_786 : i32 to vector<16xi32>
    %mul3A_788 = arith.muli %shift_right_logical3A_785, %mul3A_787 : vector<16xi32>
    %sub3A_789 = arith.subi %add3A_779, %mul3A_788 : vector<16xi32>
    %add3A_790 = arith.addi %get3A_772, %shift_right_logical3A_785 : vector<16xi32>
    %shift_right_logical3A_791 = arith.constant 3 : i32
    %shift_right_logical3A_792 = vector.broadcast %shift_right_logical3A_791 : i32 to vector<16xi32>
    %shift_right_logical3A_793 = arith.shrui %sub3A_789, %shift_right_logical3A_792 : vector<16xi32>
    %shift_left3A_794 = arith.constant 17 : i32
    %shift_left3A_795 = vector.broadcast %shift_left3A_794 : i32 to vector<16xi32>
    %shift_left3A_796 = arith.shli %shift_right_logical3A_793, %shift_left3A_795 : vector<16xi32>
    %shift_right_logical3A_797 = arith.constant 7 : i32
    %shift_right_logical3A_798 = vector.broadcast %shift_right_logical3A_797 : i32 to vector<16xi32>
    %shift_right_logical3A_799 = arith.shrui %add3A_790, %shift_right_logical3A_798 : vector<16xi32>
    %shift_left3A_800 = arith.constant 10 : i32
    %shift_left3A_801 = vector.broadcast %shift_left3A_800 : i32 to vector<16xi32>
    %shift_left3A_802 = arith.shli %shift_right_logical3A_799, %shift_left3A_801 : vector<16xi32>
    %add3A_803 = arith.addi %shift_left3A_796, %shift_left3A_802 : vector<16xi32>
    %and3A_804 = arith.constant 7 : i32
    %and3A_805 = vector.broadcast %and3A_804 : i32 to vector<16xi32>
    %and3A_806 = arith.andi %sub3A_789, %and3A_805 : vector<16xi32>
    %shift_left3A_807 = arith.constant 7 : i32
    %shift_left3A_808 = vector.broadcast %shift_left3A_807 : i32 to vector<16xi32>
    %shift_left3A_809 = arith.shli %and3A_806, %shift_left3A_808 : vector<16xi32>
    %add3A_810 = arith.addi %add3A_803, %shift_left3A_809 : vector<16xi32>
    %and3A_811 = arith.constant 127 : i32
    %and3A_812 = vector.broadcast %and3A_811 : i32 to vector<16xi32>
    %and3A_813 = arith.andi %add3A_790, %and3A_812 : vector<16xi32>
    %add3A_814 = arith.addi %add3A_810, %and3A_813 : vector<16xi32>
    %swap3A_815 = arith.constant 1 : i32
    %swap3A_816 = arith.index_cast %swap3A_815 : i32 to index
    %swap3A_817 = arith.constant 112 : index
    %swap3A_818 = tpu.vector_load %arg6[%swap3A_816, %swap3A_817] {strides = array<i32>} : memref<4x128xi32, #tpu.memory_space<vmem>>, vector<1x16xi32>,
    %swap3A_819 = vector.shape_cast %swap3A_818 : vector<1x16xi32> to vector<16xi32>
    %swap3A_820 = vector.shape_cast %add3A_814 : vector<16xi32> to vector<1x16xi32>
    tpu.vector_store %arg6[%swap3A_816, %swap3A_817], %swap3A_820 {strides = array<i32>} : memref<4x128xi32, #tpu.memory_space<vmem>>, vector<1x16xi32>,
    %dma_start3A_821 = arith.constant 1 : i32
    %dma_start3A_822 = arith.constant 1 : i32
    %dma_start3A_823 = arith.constant 0 : i32
    %dma_start3A_824 = tpu.memref_slice %arg7[%dma_start3A_822, %dma_start3A_823] : memref<4x128xf32, #tpu.memory_space<vmem>> -> memref<1x128xf32, #tpu.memory_space<vmem>>
    %dma_start3A_825 = tpu.memref_squeeze %dma_start3A_824 : memref<1x128xf32, #tpu.memory_space<vmem>> -> memref<128xf32, #tpu.memory_space<vmem>>
    %dma_start3A_826 = arith.constant 0 : i32
    %dma_start3A_827 = tpu.memref_slice %arg6[%dma_start3A_821, %dma_start3A_826] : memref<4x128xi32, #tpu.memory_space<vmem>> -> memref<1x128xi32, #tpu.memory_space<vmem>>
    %dma_start3A_828 = tpu.memref_squeeze %dma_start3A_827 : memref<1x128xi32, #tpu.memory_space<vmem>> -> memref<128xi32, #tpu.memory_space<vmem>>
    %dma_start3A_829 = arith.constant 0 : i32
    %dma_start3A_830 = tpu.memref_slice %arg2[%dma_start3A_829] : memref<16384000xf32, #tpu.memory_space<hbm>> -> memref<16384000xf32, #tpu.memory_space<hbm>>
    tpu.enqueue_indirect_dma source(%dma_start3A_830 : memref<16384000xf32, #tpu.memory_space<hbm>>) target(%dma_start3A_825 : memref<128xf32, #tpu.memory_space<vmem>>) offsets(%dma_start3A_828 : memref<128xi32, #tpu.memory_space<vmem>>) semaphore(%arg9 : memref<!tpu.dma_semaphore, #tpu.memory_space<semaphore_mem>>)
    %get3A_831 = arith.constant 256 : index
    %get3A_832 = tpu.vector_load %arg5[%get3A_831] {strides = array<i32>} : memref<512xi32, #tpu.memory_space<vmem>>, vector<16xi32>,
    %get3A_833 = vector.shape_cast %get3A_832 : vector<16xi32> to vector<16xi32>
    %add3A_834 = arith.constant 256 : i32
    %add3A_835 = arith.addi %mul3A_2, %add3A_834 : i32
    %add3A_836 = arith.constant 0 : i32
    %add3A_837 = arith.addi %add3A_835, %add3A_836 : i32
    %iota3A_838 = tpu.iota {dimensions = array<i32: 0>} : vector<16xi32>
    %add3A_839 = vector.broadcast %add3A_837 : i32 to vector<16xi32>
    %add3A_840 = arith.addi %add3A_839, %iota3A_838 : vector<16xi32>
    %mul3A_841 = arith.constant 67109 : i32
    %mul3A_842 = vector.broadcast %mul3A_841 : i32 to vector<16xi32>
    %mul3A_843 = arith.muli %add3A_840, %mul3A_842 : vector<16xi32>
    %shift_right_logical3A_844 = arith.constant 26 : i32
    %shift_right_logical3A_845 = vector.broadcast %shift_right_logical3A_844 : i32 to vector<16xi32>
    %shift_right_logical3A_846 = arith.shrui %mul3A_843, %shift_right_logical3A_845 : vector<16xi32>
    %mul3A_847 = arith.constant 1000 : i32
    %mul3A_848 = vector.broadcast %mul3A_847 : i32 to vector<16xi32>
    %mul3A_849 = arith.muli %shift_right_logical3A_846, %mul3A_848 : vector<16xi32>
    %sub3A_850 = arith.subi %add3A_840, %mul3A_849 : vector<16xi32>
    %add3A_851 = arith.addi %get3A_833, %shift_right_logical3A_846 : vector<16xi32>
    %shift_right_logical3A_852 = arith.constant 3 : i32
    %shift_right_logical3A_853 = vector.broadcast %shift_right_logical3A_852 : i32 to vector<16xi32>
    %shift_right_logical3A_854 = arith.shrui %sub3A_850, %shift_right_logical3A_853 : vector<16xi32>
    %shift_left3A_855 = arith.constant 17 : i32
    %shift_left3A_856 = vector.broadcast %shift_left3A_855 : i32 to vector<16xi32>
    %shift_left3A_857 = arith.shli %shift_right_logical3A_854, %shift_left3A_856 : vector<16xi32>
    %shift_right_logical3A_858 = arith.constant 7 : i32
    %shift_right_logical3A_859 = vector.broadcast %shift_right_logical3A_858 : i32 to vector<16xi32>
    %shift_right_logical3A_860 = arith.shrui %add3A_851, %shift_right_logical3A_859 : vector<16xi32>
    %shift_left3A_861 = arith.constant 10 : i32
    %shift_left3A_862 = vector.broadcast %shift_left3A_861 : i32 to vector<16xi32>
    %shift_left3A_863 = arith.shli %shift_right_logical3A_860, %shift_left3A_862 : vector<16xi32>
    %add3A_864 = arith.addi %shift_left3A_857, %shift_left3A_863 : vector<16xi32>
    %and3A_865 = arith.constant 7 : i32
    %and3A_866 = vector.broadcast %and3A_865 : i32 to vector<16xi32>
    %and3A_867 = arith.andi %sub3A_850, %and3A_866 : vector<16xi32>
    %shift_left3A_868 = arith.constant 7 : i32
    %shift_left3A_869 = vector.broadcast %shift_left3A_868 : i32 to vector<16xi32>
    %shift_left3A_870 = arith.shli %and3A_867, %shift_left3A_869 : vector<16xi32>
    %add3A_871 = arith.addi %add3A_864, %shift_left3A_870 : vector<16xi32>
    %and3A_872 = arith.constant 127 : i32
    %and3A_873 = vector.broadcast %and3A_872 : i32 to vector<16xi32>
    %and3A_874 = arith.andi %add3A_851, %and3A_873 : vector<16xi32>
    %add3A_875 = arith.addi %add3A_871, %and3A_874 : vector<16xi32>
    %swap3A_876 = arith.constant 2 : i32
    %swap3A_877 = arith.index_cast %swap3A_876 : i32 to index
    %swap3A_878 = arith.constant 0 : index
    %swap3A_879 = tpu.vector_load %arg6[%swap3A_877, %swap3A_878] {strides = array<i32>} : memref<4x128xi32, #tpu.memory_space<vmem>>, vector<1x16xi32>,
    %swap3A_880 = vector.shape_cast %swap3A_879 : vector<1x16xi32> to vector<16xi32>
    %swap3A_881 = vector.shape_cast %add3A_875 : vector<16xi32> to vector<1x16xi32>
    tpu.vector_store %arg6[%swap3A_877, %swap3A_878], %swap3A_881 {strides = array<i32>} : memref<4x128xi32, #tpu.memory_space<vmem>>, vector<1x16xi32>,
    %get3A_882 = arith.constant 272 : index
    %get3A_883 = tpu.vector_load %arg5[%get3A_882] {strides = array<i32>} : memref<512xi32, #tpu.memory_space<vmem>>, vector<16xi32>,
    %get3A_884 = vector.shape_cast %get3A_883 : vector<16xi32> to vector<16xi32>
    %add3A_885 = arith.constant 256 : i32
    %add3A_886 = arith.addi %mul3A_2, %add3A_885 : i32
    %add3A_887 = arith.constant 16 : i32
    %add3A_888 = arith.addi %add3A_886, %add3A_887 : i32
    %iota3A_889 = tpu.iota {dimensions = array<i32: 0>} : vector<16xi32>
    %add3A_890 = vector.broadcast %add3A_888 : i32 to vector<16xi32>
    %add3A_891 = arith.addi %add3A_890, %iota3A_889 : vector<16xi32>
    %mul3A_892 = arith.constant 67109 : i32
    %mul3A_893 = vector.broadcast %mul3A_892 : i32 to vector<16xi32>
    %mul3A_894 = arith.muli %add3A_891, %mul3A_893 : vector<16xi32>
    %shift_right_logical3A_895 = arith.constant 26 : i32
    %shift_right_logical3A_896 = vector.broadcast %shift_right_logical3A_895 : i32 to vector<16xi32>
    %shift_right_logical3A_897 = arith.shrui %mul3A_894, %shift_right_logical3A_896 : vector<16xi32>
    %mul3A_898 = arith.constant 1000 : i32
    %mul3A_899 = vector.broadcast %mul3A_898 : i32 to vector<16xi32>
    %mul3A_900 = arith.muli %shift_right_logical3A_897, %mul3A_899 : vector<16xi32>
    %sub3A_901 = arith.subi %add3A_891, %mul3A_900 : vector<16xi32>
    %add3A_902 = arith.addi %get3A_884, %shift_right_logical3A_897 : vector<16xi32>
    %shift_right_logical3A_903 = arith.constant 3 : i32
    %shift_right_logical3A_904 = vector.broadcast %shift_right_logical3A_903 : i32 to vector<16xi32>
    %shift_right_logical3A_905 = arith.shrui %sub3A_901, %shift_right_logical3A_904 : vector<16xi32>
    %shift_left3A_906 = arith.constant 17 : i32
    %shift_left3A_907 = vector.broadcast %shift_left3A_906 : i32 to vector<16xi32>
    %shift_left3A_908 = arith.shli %shift_right_logical3A_905, %shift_left3A_907 : vector<16xi32>
    %shift_right_logical3A_909 = arith.constant 7 : i32
    %shift_right_logical3A_910 = vector.broadcast %shift_right_logical3A_909 : i32 to vector<16xi32>
    %shift_right_logical3A_911 = arith.shrui %add3A_902, %shift_right_logical3A_910 : vector<16xi32>
    %shift_left3A_912 = arith.constant 10 : i32
    %shift_left3A_913 = vector.broadcast %shift_left3A_912 : i32 to vector<16xi32>
    %shift_left3A_914 = arith.shli %shift_right_logical3A_911, %shift_left3A_913 : vector<16xi32>
    %add3A_915 = arith.addi %shift_left3A_908, %shift_left3A_914 : vector<16xi32>
    %and3A_916 = arith.constant 7 : i32
    %and3A_917 = vector.broadcast %and3A_916 : i32 to vector<16xi32>
    %and3A_918 = arith.andi %sub3A_901, %and3A_917 : vector<16xi32>
    %shift_left3A_919 = arith.constant 7 : i32
    %shift_left3A_920 = vector.broadcast %shift_left3A_919 : i32 to vector<16xi32>
    %shift_left3A_921 = arith.shli %and3A_918, %shift_left3A_920 : vector<16xi32>
    %add3A_922 = arith.addi %add3A_915, %shift_left3A_921 : vector<16xi32>
    %and3A_923 = arith.constant 127 : i32
    %and3A_924 = vector.broadcast %and3A_923 : i32 to vector<16xi32>
    %and3A_925 = arith.andi %add3A_902, %and3A_924 : vector<16xi32>
    %add3A_926 = arith.addi %add3A_922, %and3A_925 : vector<16xi32>
    %swap3A_927 = arith.constant 2 : i32
    %swap3A_928 = arith.index_cast %swap3A_927 : i32 to index
    %swap3A_929 = arith.constant 16 : index
    %swap3A_930 = tpu.vector_load %arg6[%swap3A_928, %swap3A_929] {strides = array<i32>} : memref<4x128xi32, #tpu.memory_space<vmem>>, vector<1x16xi32>,
    %swap3A_931 = vector.shape_cast %swap3A_930 : vector<1x16xi32> to vector<16xi32>
    %swap3A_932 = vector.shape_cast %add3A_926 : vector<16xi32> to vector<1x16xi32>
    tpu.vector_store %arg6[%swap3A_928, %swap3A_929], %swap3A_932 {strides = array<i32>} : memref<4x128xi32, #tpu.memory_space<vmem>>, vector<1x16xi32>,
    %get3A_933 = arith.constant 288 : index
    %get3A_934 = tpu.vector_load %arg5[%get3A_933] {strides = array<i32>} : memref<512xi32, #tpu.memory_space<vmem>>, vector<16xi32>,
    %get3A_935 = vector.shape_cast %get3A_934 : vector<16xi32> to vector<16xi32>
    %add3A_936 = arith.constant 256 : i32
    %add3A_937 = arith.addi %mul3A_2, %add3A_936 : i32
    %add3A_938 = arith.constant 32 : i32
    %add3A_939 = arith.addi %add3A_937, %add3A_938 : i32
    %iota3A_940 = tpu.iota {dimensions = array<i32: 0>} : vector<16xi32>
    %add3A_941 = vector.broadcast %add3A_939 : i32 to vector<16xi32>
    %add3A_942 = arith.addi %add3A_941, %iota3A_940 : vector<16xi32>
    %mul3A_943 = arith.constant 67109 : i32
    %mul3A_944 = vector.broadcast %mul3A_943 : i32 to vector<16xi32>
    %mul3A_945 = arith.muli %add3A_942, %mul3A_944 : vector<16xi32>
    %shift_right_logical3A_946 = arith.constant 26 : i32
    %shift_right_logical3A_947 = vector.broadcast %shift_right_logical3A_946 : i32 to vector<16xi32>
    %shift_right_logical3A_948 = arith.shrui %mul3A_945, %shift_right_logical3A_947 : vector<16xi32>
    %mul3A_949 = arith.constant 1000 : i32
    %mul3A_950 = vector.broadcast %mul3A_949 : i32 to vector<16xi32>
    %mul3A_951 = arith.muli %shift_right_logical3A_948, %mul3A_950 : vector<16xi32>
    %sub3A_952 = arith.subi %add3A_942, %mul3A_951 : vector<16xi32>
    %add3A_953 = arith.addi %get3A_935, %shift_right_logical3A_948 : vector<16xi32>
    %shift_right_logical3A_954 = arith.constant 3 : i32
    %shift_right_logical3A_955 = vector.broadcast %shift_right_logical3A_954 : i32 to vector<16xi32>
    %shift_right_logical3A_956 = arith.shrui %sub3A_952, %shift_right_logical3A_955 : vector<16xi32>
    %shift_left3A_957 = arith.constant 17 : i32
    %shift_left3A_958 = vector.broadcast %shift_left3A_957 : i32 to vector<16xi32>
    %shift_left3A_959 = arith.shli %shift_right_logical3A_956, %shift_left3A_958 : vector<16xi32>
    %shift_right_logical3A_960 = arith.constant 7 : i32
    %shift_right_logical3A_961 = vector.broadcast %shift_right_logical3A_960 : i32 to vector<16xi32>
    %shift_right_logical3A_962 = arith.shrui %add3A_953, %shift_right_logical3A_961 : vector<16xi32>
    %shift_left3A_963 = arith.constant 10 : i32
    %shift_left3A_964 = vector.broadcast %shift_left3A_963 : i32 to vector<16xi32>
    %shift_left3A_965 = arith.shli %shift_right_logical3A_962, %shift_left3A_964 : vector<16xi32>
    %add3A_966 = arith.addi %shift_left3A_959, %shift_left3A_965 : vector<16xi32>
    %and3A_967 = arith.constant 7 : i32
    %and3A_968 = vector.broadcast %and3A_967 : i32 to vector<16xi32>
    %and3A_969 = arith.andi %sub3A_952, %and3A_968 : vector<16xi32>
    %shift_left3A_970 = arith.constant 7 : i32
    %shift_left3A_971 = vector.broadcast %shift_left3A_970 : i32 to vector<16xi32>
    %shift_left3A_972 = arith.shli %and3A_969, %shift_left3A_971 : vector<16xi32>
    %add3A_973 = arith.addi %add3A_966, %shift_left3A_972 : vector<16xi32>
    %and3A_974 = arith.constant 127 : i32
    %and3A_975 = vector.broadcast %and3A_974 : i32 to vector<16xi32>
    %and3A_976 = arith.andi %add3A_953, %and3A_975 : vector<16xi32>
    %add3A_977 = arith.addi %add3A_973, %and3A_976 : vector<16xi32>
    %swap3A_978 = arith.constant 2 : i32
    %swap3A_979 = arith.index_cast %swap3A_978 : i32 to index
    %swap3A_980 = arith.constant 32 : index
    %swap3A_981 = tpu.vector_load %arg6[%swap3A_979, %swap3A_980] {strides = array<i32>} : memref<4x128xi32, #tpu.memory_space<vmem>>, vector<1x16xi32>,
    %swap3A_982 = vector.shape_cast %swap3A_981 : vector<1x16xi32> to vector<16xi32>
    %swap3A_983 = vector.shape_cast %add3A_977 : vector<16xi32> to vector<1x16xi32>
    tpu.vector_store %arg6[%swap3A_979, %swap3A_980], %swap3A_983 {strides = array<i32>} : memref<4x128xi32, #tpu.memory_space<vmem>>, vector<1x16xi32>,
    %get3A_984 = arith.constant 304 : index
    %get3A_985 = tpu.vector_load %arg5[%get3A_984] {strides = array<i32>} : memref<512xi32, #tpu.memory_space<vmem>>, vector<16xi32>,
    %get3A_986 = vector.shape_cast %get3A_985 : vector<16xi32> to vector<16xi32>
    %add3A_987 = arith.constant 256 : i32
    %add3A_988 = arith.addi %mul3A_2, %add3A_987 : i32
    %add3A_989 = arith.constant 48 : i32
    %add3A_990 = arith.addi %add3A_988, %add3A_989 : i32
    %iota3A_991 = tpu.iota {dimensions = array<i32: 0>} : vector<16xi32>
    %add3A_992 = vector.broadcast %add3A_990 : i32 to vector<16xi32>
    %add3A_993 = arith.addi %add3A_992, %iota3A_991 : vector<16xi32>
    %mul3A_994 = arith.constant 67109 : i32
    %mul3A_995 = vector.broadcast %mul3A_994 : i32 to vector<16xi32>
    %mul3A_996 = arith.muli %add3A_993, %mul3A_995 : vector<16xi32>
    %shift_right_logical3A_997 = arith.constant 26 : i32
    %shift_right_logical3A_998 = vector.broadcast %shift_right_logical3A_997 : i32 to vector<16xi32>
    %shift_right_logical3A_999 = arith.shrui %mul3A_996, %shift_right_logical3A_998 : vector<16xi32>
    %mul3A_1000 = arith.constant 1000 : i32
    %mul3A_1001 = vector.broadcast %mul3A_1000 : i32 to vector<16xi32>
    %mul3A_1002 = arith.muli %shift_right_logical3A_999, %mul3A_1001 : vector<16xi32>
    %sub3A_1003 = arith.subi %add3A_993, %mul3A_1002 : vector<16xi32>
    %add3A_1004 = arith.addi %get3A_986, %shift_right_logical3A_999 : vector<16xi32>
    %shift_right_logical3A_1005 = arith.constant 3 : i32
    %shift_right_logical3A_1006 = vector.broadcast %shift_right_logical3A_1005 : i32 to vector<16xi32>
    %shift_right_logical3A_1007 = arith.shrui %sub3A_1003, %shift_right_logical3A_1006 : vector<16xi32>
    %shift_left3A_1008 = arith.constant 17 : i32
    %shift_left3A_1009 = vector.broadcast %shift_left3A_1008 : i32 to vector<16xi32>
    %shift_left3A_1010 = arith.shli %shift_right_logical3A_1007, %shift_left3A_1009 : vector<16xi32>
    %shift_right_logical3A_1011 = arith.constant 7 : i32
    %shift_right_logical3A_1012 = vector.broadcast %shift_right_logical3A_1011 : i32 to vector<16xi32>
    %shift_right_logical3A_1013 = arith.shrui %add3A_1004, %shift_right_logical3A_1012 : vector<16xi32>
    %shift_left3A_1014 = arith.constant 10 : i32
    %shift_left3A_1015 = vector.broadcast %shift_left3A_1014 : i32 to vector<16xi32>
    %shift_left3A_1016 = arith.shli %shift_right_logical3A_1013, %shift_left3A_1015 : vector<16xi32>
    %add3A_1017 = arith.addi %shift_left3A_1010, %shift_left3A_1016 : vector<16xi32>
    %and3A_1018 = arith.constant 7 : i32
    %and3A_1019 = vector.broadcast %and3A_1018 : i32 to vector<16xi32>
    %and3A_1020 = arith.andi %sub3A_1003, %and3A_1019 : vector<16xi32>
    %shift_left3A_1021 = arith.constant 7 : i32
    %shift_left3A_1022 = vector.broadcast %shift_left3A_1021 : i32 to vector<16xi32>
    %shift_left3A_1023 = arith.shli %and3A_1020, %shift_left3A_1022 : vector<16xi32>
    %add3A_1024 = arith.addi %add3A_1017, %shift_left3A_1023 : vector<16xi32>
    %and3A_1025 = arith.constant 127 : i32
    %and3A_1026 = vector.broadcast %and3A_1025 : i32 to vector<16xi32>
    %and3A_1027 = arith.andi %add3A_1004, %and3A_1026 : vector<16xi32>
    %add3A_1028 = arith.addi %add3A_1024, %and3A_1027 : vector<16xi32>
    %swap3A_1029 = arith.constant 2 : i32
    %swap3A_1030 = arith.index_cast %swap3A_1029 : i32 to index
    %swap3A_1031 = arith.constant 48 : index
    %swap3A_1032 = tpu.vector_load %arg6[%swap3A_1030, %swap3A_1031] {strides = array<i32>} : memref<4x128xi32, #tpu.memory_space<vmem>>, vector<1x16xi32>,
    %swap3A_1033 = vector.shape_cast %swap3A_1032 : vector<1x16xi32> to vector<16xi32>
    %swap3A_1034 = vector.shape_cast %add3A_1028 : vector<16xi32> to vector<1x16xi32>
    tpu.vector_store %arg6[%swap3A_1030, %swap3A_1031], %swap3A_1034 {strides = array<i32>} : memref<4x128xi32, #tpu.memory_space<vmem>>, vector<1x16xi32>,
    %get3A_1035 = arith.constant 320 : index
    %get3A_1036 = tpu.vector_load %arg5[%get3A_1035] {strides = array<i32>} : memref<512xi32, #tpu.memory_space<vmem>>, vector<16xi32>,
    %get3A_1037 = vector.shape_cast %get3A_1036 : vector<16xi32> to vector<16xi32>
    %add3A_1038 = arith.constant 256 : i32
    %add3A_1039 = arith.addi %mul3A_2, %add3A_1038 : i32
    %add3A_1040 = arith.constant 64 : i32
    %add3A_1041 = arith.addi %add3A_1039, %add3A_1040 : i32
    %iota3A_1042 = tpu.iota {dimensions = array<i32: 0>} : vector<16xi32>
    %add3A_1043 = vector.broadcast %add3A_1041 : i32 to vector<16xi32>
    %add3A_1044 = arith.addi %add3A_1043, %iota3A_1042 : vector<16xi32>
    %mul3A_1045 = arith.constant 67109 : i32
    %mul3A_1046 = vector.broadcast %mul3A_1045 : i32 to vector<16xi32>
    %mul3A_1047 = arith.muli %add3A_1044, %mul3A_1046 : vector<16xi32>
    %shift_right_logical3A_1048 = arith.constant 26 : i32
    %shift_right_logical3A_1049 = vector.broadcast %shift_right_logical3A_1048 : i32 to vector<16xi32>
    %shift_right_logical3A_1050 = arith.shrui %mul3A_1047, %shift_right_logical3A_1049 : vector<16xi32>
    %mul3A_1051 = arith.constant 1000 : i32
    %mul3A_1052 = vector.broadcast %mul3A_1051 : i32 to vector<16xi32>
    %mul3A_1053 = arith.muli %shift_right_logical3A_1050, %mul3A_1052 : vector<16xi32>
    %sub3A_1054 = arith.subi %add3A_1044, %mul3A_1053 : vector<16xi32>
    %add3A_1055 = arith.addi %get3A_1037, %shift_right_logical3A_1050 : vector<16xi32>
    %shift_right_logical3A_1056 = arith.constant 3 : i32
    %shift_right_logical3A_1057 = vector.broadcast %shift_right_logical3A_1056 : i32 to vector<16xi32>
    %shift_right_logical3A_1058 = arith.shrui %sub3A_1054, %shift_right_logical3A_1057 : vector<16xi32>
    %shift_left3A_1059 = arith.constant 17 : i32
    %shift_left3A_1060 = vector.broadcast %shift_left3A_1059 : i32 to vector<16xi32>
    %shift_left3A_1061 = arith.shli %shift_right_logical3A_1058, %shift_left3A_1060 : vector<16xi32>
    %shift_right_logical3A_1062 = arith.constant 7 : i32
    %shift_right_logical3A_1063 = vector.broadcast %shift_right_logical3A_1062 : i32 to vector<16xi32>
    %shift_right_logical3A_1064 = arith.shrui %add3A_1055, %shift_right_logical3A_1063 : vector<16xi32>
    %shift_left3A_1065 = arith.constant 10 : i32
    %shift_left3A_1066 = vector.broadcast %shift_left3A_1065 : i32 to vector<16xi32>
    %shift_left3A_1067 = arith.shli %shift_right_logical3A_1064, %shift_left3A_1066 : vector<16xi32>
    %add3A_1068 = arith.addi %shift_left3A_1061, %shift_left3A_1067 : vector<16xi32>
    %and3A_1069 = arith.constant 7 : i32
    %and3A_1070 = vector.broadcast %and3A_1069 : i32 to vector<16xi32>
    %and3A_1071 = arith.andi %sub3A_1054, %and3A_1070 : vector<16xi32>
    %shift_left3A_1072 = arith.constant 7 : i32
    %shift_left3A_1073 = vector.broadcast %shift_left3A_1072 : i32 to vector<16xi32>
    %shift_left3A_1074 = arith.shli %and3A_1071, %shift_left3A_1073 : vector<16xi32>
    %add3A_1075 = arith.addi %add3A_1068, %shift_left3A_1074 : vector<16xi32>
    %and3A_1076 = arith.constant 127 : i32
    %and3A_1077 = vector.broadcast %and3A_1076 : i32 to vector<16xi32>
    %and3A_1078 = arith.andi %add3A_1055, %and3A_1077 : vector<16xi32>
    %add3A_1079 = arith.addi %add3A_1075, %and3A_1078 : vector<16xi32>
    %swap3A_1080 = arith.constant 2 : i32
    %swap3A_1081 = arith.index_cast %swap3A_1080 : i32 to index
    %swap3A_1082 = arith.constant 64 : index
    %swap3A_1083 = tpu.vector_load %arg6[%swap3A_1081, %swap3A_1082] {strides = array<i32>} : memref<4x128xi32, #tpu.memory_space<vmem>>, vector<1x16xi32>,
    %swap3A_1084 = vector.shape_cast %swap3A_1083 : vector<1x16xi32> to vector<16xi32>
    %swap3A_1085 = vector.shape_cast %add3A_1079 : vector<16xi32> to vector<1x16xi32>
    tpu.vector_store %arg6[%swap3A_1081, %swap3A_1082], %swap3A_1085 {strides = array<i32>} : memref<4x128xi32, #tpu.memory_space<vmem>>, vector<1x16xi32>,
    %get3A_1086 = arith.constant 336 : index
    %get3A_1087 = tpu.vector_load %arg5[%get3A_1086] {strides = array<i32>} : memref<512xi32, #tpu.memory_space<vmem>>, vector<16xi32>,
    %get3A_1088 = vector.shape_cast %get3A_1087 : vector<16xi32> to vector<16xi32>
    %add3A_1089 = arith.constant 256 : i32
    %add3A_1090 = arith.addi %mul3A_2, %add3A_1089 : i32
    %add3A_1091 = arith.constant 80 : i32
    %add3A_1092 = arith.addi %add3A_1090, %add3A_1091 : i32
    %iota3A_1093 = tpu.iota {dimensions = array<i32: 0>} : vector<16xi32>
    %add3A_1094 = vector.broadcast %add3A_1092 : i32 to vector<16xi32>
    %add3A_1095 = arith.addi %add3A_1094, %iota3A_1093 : vector<16xi32>
    %mul3A_1096 = arith.constant 67109 : i32
    %mul3A_1097 = vector.broadcast %mul3A_1096 : i32 to vector<16xi32>
    %mul3A_1098 = arith.muli %add3A_1095, %mul3A_1097 : vector<16xi32>
    %shift_right_logical3A_1099 = arith.constant 26 : i32
    %shift_right_logical3A_1100 = vector.broadcast %shift_right_logical3A_1099 : i32 to vector<16xi32>
    %shift_right_logical3A_1101 = arith.shrui %mul3A_1098, %shift_right_logical3A_1100 : vector<16xi32>
    %mul3A_1102 = arith.constant 1000 : i32
    %mul3A_1103 = vector.broadcast %mul3A_1102 : i32 to vector<16xi32>
    %mul3A_1104 = arith.muli %shift_right_logical3A_1101, %mul3A_1103 : vector<16xi32>
    %sub3A_1105 = arith.subi %add3A_1095, %mul3A_1104 : vector<16xi32>
    %add3A_1106 = arith.addi %get3A_1088, %shift_right_logical3A_1101 : vector<16xi32>
    %shift_right_logical3A_1107 = arith.constant 3 : i32
    %shift_right_logical3A_1108 = vector.broadcast %shift_right_logical3A_1107 : i32 to vector<16xi32>
    %shift_right_logical3A_1109 = arith.shrui %sub3A_1105, %shift_right_logical3A_1108 : vector<16xi32>
    %shift_left3A_1110 = arith.constant 17 : i32
    %shift_left3A_1111 = vector.broadcast %shift_left3A_1110 : i32 to vector<16xi32>
    %shift_left3A_1112 = arith.shli %shift_right_logical3A_1109, %shift_left3A_1111 : vector<16xi32>
    %shift_right_logical3A_1113 = arith.constant 7 : i32
    %shift_right_logical3A_1114 = vector.broadcast %shift_right_logical3A_1113 : i32 to vector<16xi32>
    %shift_right_logical3A_1115 = arith.shrui %add3A_1106, %shift_right_logical3A_1114 : vector<16xi32>
    %shift_left3A_1116 = arith.constant 10 : i32
    %shift_left3A_1117 = vector.broadcast %shift_left3A_1116 : i32 to vector<16xi32>
    %shift_left3A_1118 = arith.shli %shift_right_logical3A_1115, %shift_left3A_1117 : vector<16xi32>
    %add3A_1119 = arith.addi %shift_left3A_1112, %shift_left3A_1118 : vector<16xi32>
    %and3A_1120 = arith.constant 7 : i32
    %and3A_1121 = vector.broadcast %and3A_1120 : i32 to vector<16xi32>
    %and3A_1122 = arith.andi %sub3A_1105, %and3A_1121 : vector<16xi32>
    %shift_left3A_1123 = arith.constant 7 : i32
    %shift_left3A_1124 = vector.broadcast %shift_left3A_1123 : i32 to vector<16xi32>
    %shift_left3A_1125 = arith.shli %and3A_1122, %shift_left3A_1124 : vector<16xi32>
    %add3A_1126 = arith.addi %add3A_1119, %shift_left3A_1125 : vector<16xi32>
    %and3A_1127 = arith.constant 127 : i32
    %and3A_1128 = vector.broadcast %and3A_1127 : i32 to vector<16xi32>
    %and3A_1129 = arith.andi %add3A_1106, %and3A_1128 : vector<16xi32>
    %add3A_1130 = arith.addi %add3A_1126, %and3A_1129 : vector<16xi32>
    %swap3A_1131 = arith.constant 2 : i32
    %swap3A_1132 = arith.index_cast %swap3A_1131 : i32 to index
    %swap3A_1133 = arith.constant 80 : index
    %swap3A_1134 = tpu.vector_load %arg6[%swap3A_1132, %swap3A_1133] {strides = array<i32>} : memref<4x128xi32, #tpu.memory_space<vmem>>, vector<1x16xi32>,
    %swap3A_1135 = vector.shape_cast %swap3A_1134 : vector<1x16xi32> to vector<16xi32>
    %swap3A_1136 = vector.shape_cast %add3A_1130 : vector<16xi32> to vector<1x16xi32>
    tpu.vector_store %arg6[%swap3A_1132, %swap3A_1133], %swap3A_1136 {strides = array<i32>} : memref<4x128xi32, #tpu.memory_space<vmem>>, vector<1x16xi32>,
    %get3A_1137 = arith.constant 352 : index
    %get3A_1138 = tpu.vector_load %arg5[%get3A_1137] {strides = array<i32>} : memref<512xi32, #tpu.memory_space<vmem>>, vector<16xi32>,
    %get3A_1139 = vector.shape_cast %get3A_1138 : vector<16xi32> to vector<16xi32>
    %add3A_1140 = arith.constant 256 : i32
    %add3A_1141 = arith.addi %mul3A_2, %add3A_1140 : i32
    %add3A_1142 = arith.constant 96 : i32
    %add3A_1143 = arith.addi %add3A_1141, %add3A_1142 : i32
    %iota3A_1144 = tpu.iota {dimensions = array<i32: 0>} : vector<16xi32>
    %add3A_1145 = vector.broadcast %add3A_1143 : i32 to vector<16xi32>
    %add3A_1146 = arith.addi %add3A_1145, %iota3A_1144 : vector<16xi32>
    %mul3A_1147 = arith.constant 67109 : i32
    %mul3A_1148 = vector.broadcast %mul3A_1147 : i32 to vector<16xi32>
    %mul3A_1149 = arith.muli %add3A_1146, %mul3A_1148 : vector<16xi32>
    %shift_right_logical3A_1150 = arith.constant 26 : i32
    %shift_right_logical3A_1151 = vector.broadcast %shift_right_logical3A_1150 : i32 to vector<16xi32>
    %shift_right_logical3A_1152 = arith.shrui %mul3A_1149, %shift_right_logical3A_1151 : vector<16xi32>
    %mul3A_1153 = arith.constant 1000 : i32
    %mul3A_1154 = vector.broadcast %mul3A_1153 : i32 to vector<16xi32>
    %mul3A_1155 = arith.muli %shift_right_logical3A_1152, %mul3A_1154 : vector<16xi32>
    %sub3A_1156 = arith.subi %add3A_1146, %mul3A_1155 : vector<16xi32>
    %add3A_1157 = arith.addi %get3A_1139, %shift_right_logical3A_1152 : vector<16xi32>
    %shift_right_logical3A_1158 = arith.constant 3 : i32
    %shift_right_logical3A_1159 = vector.broadcast %shift_right_logical3A_1158 : i32 to vector<16xi32>
    %shift_right_logical3A_1160 = arith.shrui %sub3A_1156, %shift_right_logical3A_1159 : vector<16xi32>
    %shift_left3A_1161 = arith.constant 17 : i32
    %shift_left3A_1162 = vector.broadcast %shift_left3A_1161 : i32 to vector<16xi32>
    %shift_left3A_1163 = arith.shli %shift_right_logical3A_1160, %shift_left3A_1162 : vector<16xi32>
    %shift_right_logical3A_1164 = arith.constant 7 : i32
    %shift_right_logical3A_1165 = vector.broadcast %shift_right_logical3A_1164 : i32 to vector<16xi32>
    %shift_right_logical3A_1166 = arith.shrui %add3A_1157, %shift_right_logical3A_1165 : vector<16xi32>
    %shift_left3A_1167 = arith.constant 10 : i32
    %shift_left3A_1168 = vector.broadcast %shift_left3A_1167 : i32 to vector<16xi32>
    %shift_left3A_1169 = arith.shli %shift_right_logical3A_1166, %shift_left3A_1168 : vector<16xi32>
    %add3A_1170 = arith.addi %shift_left3A_1163, %shift_left3A_1169 : vector<16xi32>
    %and3A_1171 = arith.constant 7 : i32
    %and3A_1172 = vector.broadcast %and3A_1171 : i32 to vector<16xi32>
    %and3A_1173 = arith.andi %sub3A_1156, %and3A_1172 : vector<16xi32>
    %shift_left3A_1174 = arith.constant 7 : i32
    %shift_left3A_1175 = vector.broadcast %shift_left3A_1174 : i32 to vector<16xi32>
    %shift_left3A_1176 = arith.shli %and3A_1173, %shift_left3A_1175 : vector<16xi32>
    %add3A_1177 = arith.addi %add3A_1170, %shift_left3A_1176 : vector<16xi32>
    %and3A_1178 = arith.constant 127 : i32
    %and3A_1179 = vector.broadcast %and3A_1178 : i32 to vector<16xi32>
    %and3A_1180 = arith.andi %add3A_1157, %and3A_1179 : vector<16xi32>
    %add3A_1181 = arith.addi %add3A_1177, %and3A_1180 : vector<16xi32>
    %swap3A_1182 = arith.constant 2 : i32
    %swap3A_1183 = arith.index_cast %swap3A_1182 : i32 to index
    %swap3A_1184 = arith.constant 96 : index
    %swap3A_1185 = tpu.vector_load %arg6[%swap3A_1183, %swap3A_1184] {strides = array<i32>} : memref<4x128xi32, #tpu.memory_space<vmem>>, vector<1x16xi32>,
    %swap3A_1186 = vector.shape_cast %swap3A_1185 : vector<1x16xi32> to vector<16xi32>
    %swap3A_1187 = vector.shape_cast %add3A_1181 : vector<16xi32> to vector<1x16xi32>
    tpu.vector_store %arg6[%swap3A_1183, %swap3A_1184], %swap3A_1187 {strides = array<i32>} : memref<4x128xi32, #tpu.memory_space<vmem>>, vector<1x16xi32>,
    %get3A_1188 = arith.constant 368 : index
    %get3A_1189 = tpu.vector_load %arg5[%get3A_1188] {strides = array<i32>} : memref<512xi32, #tpu.memory_space<vmem>>, vector<16xi32>,
    %get3A_1190 = vector.shape_cast %get3A_1189 : vector<16xi32> to vector<16xi32>
    %add3A_1191 = arith.constant 256 : i32
    %add3A_1192 = arith.addi %mul3A_2, %add3A_1191 : i32
    %add3A_1193 = arith.constant 112 : i32
    %add3A_1194 = arith.addi %add3A_1192, %add3A_1193 : i32
    %iota3A_1195 = tpu.iota {dimensions = array<i32: 0>} : vector<16xi32>
    %add3A_1196 = vector.broadcast %add3A_1194 : i32 to vector<16xi32>
    %add3A_1197 = arith.addi %add3A_1196, %iota3A_1195 : vector<16xi32>
    %mul3A_1198 = arith.constant 67109 : i32
    %mul3A_1199 = vector.broadcast %mul3A_1198 : i32 to vector<16xi32>
    %mul3A_1200 = arith.muli %add3A_1197, %mul3A_1199 : vector<16xi32>
    %shift_right_logical3A_1201 = arith.constant 26 : i32
    %shift_right_logical3A_1202 = vector.broadcast %shift_right_logical3A_1201 : i32 to vector<16xi32>
    %shift_right_logical3A_1203 = arith.shrui %mul3A_1200, %shift_right_logical3A_1202 : vector<16xi32>
    %mul3A_1204 = arith.constant 1000 : i32
    %mul3A_1205 = vector.broadcast %mul3A_1204 : i32 to vector<16xi32>
    %mul3A_1206 = arith.muli %shift_right_logical3A_1203, %mul3A_1205 : vector<16xi32>
    %sub3A_1207 = arith.subi %add3A_1197, %mul3A_1206 : vector<16xi32>
    %add3A_1208 = arith.addi %get3A_1190, %shift_right_logical3A_1203 : vector<16xi32>
    %shift_right_logical3A_1209 = arith.constant 3 : i32
    %shift_right_logical3A_1210 = vector.broadcast %shift_right_logical3A_1209 : i32 to vector<16xi32>
    %shift_right_logical3A_1211 = arith.shrui %sub3A_1207, %shift_right_logical3A_1210 : vector<16xi32>
    %shift_left3A_1212 = arith.constant 17 : i32
    %shift_left3A_1213 = vector.broadcast %shift_left3A_1212 : i32 to vector<16xi32>
    %shift_left3A_1214 = arith.shli %shift_right_logical3A_1211, %shift_left3A_1213 : vector<16xi32>
    %shift_right_logical3A_1215 = arith.constant 7 : i32
    %shift_right_logical3A_1216 = vector.broadcast %shift_right_logical3A_1215 : i32 to vector<16xi32>
    %shift_right_logical3A_1217 = arith.shrui %add3A_1208, %shift_right_logical3A_1216 : vector<16xi32>
    %shift_left3A_1218 = arith.constant 10 : i32
    %shift_left3A_1219 = vector.broadcast %shift_left3A_1218 : i32 to vector<16xi32>
    %shift_left3A_1220 = arith.shli %shift_right_logical3A_1217, %shift_left3A_1219 : vector<16xi32>
    %add3A_1221 = arith.addi %shift_left3A_1214, %shift_left3A_1220 : vector<16xi32>
    %and3A_1222 = arith.constant 7 : i32
    %and3A_1223 = vector.broadcast %and3A_1222 : i32 to vector<16xi32>
    %and3A_1224 = arith.andi %sub3A_1207, %and3A_1223 : vector<16xi32>
    %shift_left3A_1225 = arith.constant 7 : i32
    %shift_left3A_1226 = vector.broadcast %shift_left3A_1225 : i32 to vector<16xi32>
    %shift_left3A_1227 = arith.shli %and3A_1224, %shift_left3A_1226 : vector<16xi32>
    %add3A_1228 = arith.addi %add3A_1221, %shift_left3A_1227 : vector<16xi32>
    %and3A_1229 = arith.constant 127 : i32
    %and3A_1230 = vector.broadcast %and3A_1229 : i32 to vector<16xi32>
    %and3A_1231 = arith.andi %add3A_1208, %and3A_1230 : vector<16xi32>
    %add3A_1232 = arith.addi %add3A_1228, %and3A_1231 : vector<16xi32>
    %swap3A_1233 = arith.constant 2 : i32
    %swap3A_1234 = arith.index_cast %swap3A_1233 : i32 to index
    %swap3A_1235 = arith.constant 112 : index
    %swap3A_1236 = tpu.vector_load %arg6[%swap3A_1234, %swap3A_1235] {strides = array<i32>} : memref<4x128xi32, #tpu.memory_space<vmem>>, vector<1x16xi32>,
    %swap3A_1237 = vector.shape_cast %swap3A_1236 : vector<1x16xi32> to vector<16xi32>
    %swap3A_1238 = vector.shape_cast %add3A_1232 : vector<16xi32> to vector<1x16xi32>
    tpu.vector_store %arg6[%swap3A_1234, %swap3A_1235], %swap3A_1238 {strides = array<i32>} : memref<4x128xi32, #tpu.memory_space<vmem>>, vector<1x16xi32>,
    %dma_start3A_1239 = arith.constant 2 : i32
    %dma_start3A_1240 = arith.constant 2 : i32
    %dma_start3A_1241 = arith.constant 0 : i32
    %dma_start3A_1242 = tpu.memref_slice %arg7[%dma_start3A_1240, %dma_start3A_1241] : memref<4x128xf32, #tpu.memory_space<vmem>> -> memref<1x128xf32, #tpu.memory_space<vmem>>
    %dma_start3A_1243 = tpu.memref_squeeze %dma_start3A_1242 : memref<1x128xf32, #tpu.memory_space<vmem>> -> memref<128xf32, #tpu.memory_space<vmem>>
    %dma_start3A_1244 = arith.constant 0 : i32
    %dma_start3A_1245 = tpu.memref_slice %arg6[%dma_start3A_1239, %dma_start3A_1244] : memref<4x128xi32, #tpu.memory_space<vmem>> -> memref<1x128xi32, #tpu.memory_space<vmem>>
    %dma_start3A_1246 = tpu.memref_squeeze %dma_start3A_1245 : memref<1x128xi32, #tpu.memory_space<vmem>> -> memref<128xi32, #tpu.memory_space<vmem>>
    %dma_start3A_1247 = arith.constant 0 : i32
    %dma_start3A_1248 = tpu.memref_slice %arg2[%dma_start3A_1247] : memref<16384000xf32, #tpu.memory_space<hbm>> -> memref<16384000xf32, #tpu.memory_space<hbm>>
    tpu.enqueue_indirect_dma source(%dma_start3A_1248 : memref<16384000xf32, #tpu.memory_space<hbm>>) target(%dma_start3A_1243 : memref<128xf32, #tpu.memory_space<vmem>>) offsets(%dma_start3A_1246 : memref<128xi32, #tpu.memory_space<vmem>>) semaphore(%arg9 : memref<!tpu.dma_semaphore, #tpu.memory_space<semaphore_mem>>)
    %get3A_1249 = arith.constant 384 : index
    %get3A_1250 = tpu.vector_load %arg5[%get3A_1249] {strides = array<i32>} : memref<512xi32, #tpu.memory_space<vmem>>, vector<16xi32>,
    %get3A_1251 = vector.shape_cast %get3A_1250 : vector<16xi32> to vector<16xi32>
    %add3A_1252 = arith.constant 384 : i32
    %add3A_1253 = arith.addi %mul3A_2, %add3A_1252 : i32
    %add3A_1254 = arith.constant 0 : i32
    %add3A_1255 = arith.addi %add3A_1253, %add3A_1254 : i32
    %iota3A_1256 = tpu.iota {dimensions = array<i32: 0>} : vector<16xi32>
    %add3A_1257 = vector.broadcast %add3A_1255 : i32 to vector<16xi32>
    %add3A_1258 = arith.addi %add3A_1257, %iota3A_1256 : vector<16xi32>
    %mul3A_1259 = arith.constant 67109 : i32
    %mul3A_1260 = vector.broadcast %mul3A_1259 : i32 to vector<16xi32>
    %mul3A_1261 = arith.muli %add3A_1258, %mul3A_1260 : vector<16xi32>
    %shift_right_logical3A_1262 = arith.constant 26 : i32
    %shift_right_logical3A_1263 = vector.broadcast %shift_right_logical3A_1262 : i32 to vector<16xi32>
    %shift_right_logical3A_1264 = arith.shrui %mul3A_1261, %shift_right_logical3A_1263 : vector<16xi32>
    %mul3A_1265 = arith.constant 1000 : i32
    %mul3A_1266 = vector.broadcast %mul3A_1265 : i32 to vector<16xi32>
    %mul3A_1267 = arith.muli %shift_right_logical3A_1264, %mul3A_1266 : vector<16xi32>
    %sub3A_1268 = arith.subi %add3A_1258, %mul3A_1267 : vector<16xi32>
    %add3A_1269 = arith.addi %get3A_1251, %shift_right_logical3A_1264 : vector<16xi32>
    %shift_right_logical3A_1270 = arith.constant 3 : i32
    %shift_right_logical3A_1271 = vector.broadcast %shift_right_logical3A_1270 : i32 to vector<16xi32>
    %shift_right_logical3A_1272 = arith.shrui %sub3A_1268, %shift_right_logical3A_1271 : vector<16xi32>
    %shift_left3A_1273 = arith.constant 17 : i32
    %shift_left3A_1274 = vector.broadcast %shift_left3A_1273 : i32 to vector<16xi32>
    %shift_left3A_1275 = arith.shli %shift_right_logical3A_1272, %shift_left3A_1274 : vector<16xi32>
    %shift_right_logical3A_1276 = arith.constant 7 : i32
    %shift_right_logical3A_1277 = vector.broadcast %shift_right_logical3A_1276 : i32 to vector<16xi32>
    %shift_right_logical3A_1278 = arith.shrui %add3A_1269, %shift_right_logical3A_1277 : vector<16xi32>
    %shift_left3A_1279 = arith.constant 10 : i32
    %shift_left3A_1280 = vector.broadcast %shift_left3A_1279 : i32 to vector<16xi32>
    %shift_left3A_1281 = arith.shli %shift_right_logical3A_1278, %shift_left3A_1280 : vector<16xi32>
    %add3A_1282 = arith.addi %shift_left3A_1275, %shift_left3A_1281 : vector<16xi32>
    %and3A_1283 = arith.constant 7 : i32
    %and3A_1284 = vector.broadcast %and3A_1283 : i32 to vector<16xi32>
    %and3A_1285 = arith.andi %sub3A_1268, %and3A_1284 : vector<16xi32>
    %shift_left3A_1286 = arith.constant 7 : i32
    %shift_left3A_1287 = vector.broadcast %shift_left3A_1286 : i32 to vector<16xi32>
    %shift_left3A_1288 = arith.shli %and3A_1285, %shift_left3A_1287 : vector<16xi32>
    %add3A_1289 = arith.addi %add3A_1282, %shift_left3A_1288 : vector<16xi32>
    %and3A_1290 = arith.constant 127 : i32
    %and3A_1291 = vector.broadcast %and3A_1290 : i32 to vector<16xi32>
    %and3A_1292 = arith.andi %add3A_1269, %and3A_1291 : vector<16xi32>
    %add3A_1293 = arith.addi %add3A_1289, %and3A_1292 : vector<16xi32>
    %swap3A_1294 = arith.constant 3 : i32
    %swap3A_1295 = arith.index_cast %swap3A_1294 : i32 to index
    %swap3A_1296 = arith.constant 0 : index
    %swap3A_1297 = tpu.vector_load %arg6[%swap3A_1295, %swap3A_1296] {strides = array<i32>} : memref<4x128xi32, #tpu.memory_space<vmem>>, vector<1x16xi32>,
    %swap3A_1298 = vector.shape_cast %swap3A_1297 : vector<1x16xi32> to vector<16xi32>
    %swap3A_1299 = vector.shape_cast %add3A_1293 : vector<16xi32> to vector<1x16xi32>
    tpu.vector_store %arg6[%swap3A_1295, %swap3A_1296], %swap3A_1299 {strides = array<i32>} : memref<4x128xi32, #tpu.memory_space<vmem>>, vector<1x16xi32>,
    %get3A_1300 = arith.constant 400 : index
    %get3A_1301 = tpu.vector_load %arg5[%get3A_1300] {strides = array<i32>} : memref<512xi32, #tpu.memory_space<vmem>>, vector<16xi32>,
    %get3A_1302 = vector.shape_cast %get3A_1301 : vector<16xi32> to vector<16xi32>
    %add3A_1303 = arith.constant 384 : i32
    %add3A_1304 = arith.addi %mul3A_2, %add3A_1303 : i32
    %add3A_1305 = arith.constant 16 : i32
    %add3A_1306 = arith.addi %add3A_1304, %add3A_1305 : i32
    %iota3A_1307 = tpu.iota {dimensions = array<i32: 0>} : vector<16xi32>
    %add3A_1308 = vector.broadcast %add3A_1306 : i32 to vector<16xi32>
    %add3A_1309 = arith.addi %add3A_1308, %iota3A_1307 : vector<16xi32>
    %mul3A_1310 = arith.constant 67109 : i32
    %mul3A_1311 = vector.broadcast %mul3A_1310 : i32 to vector<16xi32>
    %mul3A_1312 = arith.muli %add3A_1309, %mul3A_1311 : vector<16xi32>
    %shift_right_logical3A_1313 = arith.constant 26 : i32
    %shift_right_logical3A_1314 = vector.broadcast %shift_right_logical3A_1313 : i32 to vector<16xi32>
    %shift_right_logical3A_1315 = arith.shrui %mul3A_1312, %shift_right_logical3A_1314 : vector<16xi32>
    %mul3A_1316 = arith.constant 1000 : i32
    %mul3A_1317 = vector.broadcast %mul3A_1316 : i32 to vector<16xi32>
    %mul3A_1318 = arith.muli %shift_right_logical3A_1315, %mul3A_1317 : vector<16xi32>
    %sub3A_1319 = arith.subi %add3A_1309, %mul3A_1318 : vector<16xi32>
    %add3A_1320 = arith.addi %get3A_1302, %shift_right_logical3A_1315 : vector<16xi32>
    %shift_right_logical3A_1321 = arith.constant 3 : i32
    %shift_right_logical3A_1322 = vector.broadcast %shift_right_logical3A_1321 : i32 to vector<16xi32>
    %shift_right_logical3A_1323 = arith.shrui %sub3A_1319, %shift_right_logical3A_1322 : vector<16xi32>
    %shift_left3A_1324 = arith.constant 17 : i32
    %shift_left3A_1325 = vector.broadcast %shift_left3A_1324 : i32 to vector<16xi32>
    %shift_left3A_1326 = arith.shli %shift_right_logical3A_1323, %shift_left3A_1325 : vector<16xi32>
    %shift_right_logical3A_1327 = arith.constant 7 : i32
    %shift_right_logical3A_1328 = vector.broadcast %shift_right_logical3A_1327 : i32 to vector<16xi32>
    %shift_right_logical3A_1329 = arith.shrui %add3A_1320, %shift_right_logical3A_1328 : vector<16xi32>
    %shift_left3A_1330 = arith.constant 10 : i32
    %shift_left3A_1331 = vector.broadcast %shift_left3A_1330 : i32 to vector<16xi32>
    %shift_left3A_1332 = arith.shli %shift_right_logical3A_1329, %shift_left3A_1331 : vector<16xi32>
    %add3A_1333 = arith.addi %shift_left3A_1326, %shift_left3A_1332 : vector<16xi32>
    %and3A_1334 = arith.constant 7 : i32
    %and3A_1335 = vector.broadcast %and3A_1334 : i32 to vector<16xi32>
    %and3A_1336 = arith.andi %sub3A_1319, %and3A_1335 : vector<16xi32>
    %shift_left3A_1337 = arith.constant 7 : i32
    %shift_left3A_1338 = vector.broadcast %shift_left3A_1337 : i32 to vector<16xi32>
    %shift_left3A_1339 = arith.shli %and3A_1336, %shift_left3A_1338 : vector<16xi32>
    %add3A_1340 = arith.addi %add3A_1333, %shift_left3A_1339 : vector<16xi32>
    %and3A_1341 = arith.constant 127 : i32
    %and3A_1342 = vector.broadcast %and3A_1341 : i32 to vector<16xi32>
    %and3A_1343 = arith.andi %add3A_1320, %and3A_1342 : vector<16xi32>
    %add3A_1344 = arith.addi %add3A_1340, %and3A_1343 : vector<16xi32>
    %swap3A_1345 = arith.constant 3 : i32
    %swap3A_1346 = arith.index_cast %swap3A_1345 : i32 to index
    %swap3A_1347 = arith.constant 16 : index
    %swap3A_1348 = tpu.vector_load %arg6[%swap3A_1346, %swap3A_1347] {strides = array<i32>} : memref<4x128xi32, #tpu.memory_space<vmem>>, vector<1x16xi32>,
    %swap3A_1349 = vector.shape_cast %swap3A_1348 : vector<1x16xi32> to vector<16xi32>
    %swap3A_1350 = vector.shape_cast %add3A_1344 : vector<16xi32> to vector<1x16xi32>
    tpu.vector_store %arg6[%swap3A_1346, %swap3A_1347], %swap3A_1350 {strides = array<i32>} : memref<4x128xi32, #tpu.memory_space<vmem>>, vector<1x16xi32>,
    %get3A_1351 = arith.constant 416 : index
    %get3A_1352 = tpu.vector_load %arg5[%get3A_1351] {strides = array<i32>} : memref<512xi32, #tpu.memory_space<vmem>>, vector<16xi32>,
    %get3A_1353 = vector.shape_cast %get3A_1352 : vector<16xi32> to vector<16xi32>
    %add3A_1354 = arith.constant 384 : i32
    %add3A_1355 = arith.addi %mul3A_2, %add3A_1354 : i32
    %add3A_1356 = arith.constant 32 : i32
    %add3A_1357 = arith.addi %add3A_1355, %add3A_1356 : i32
    %iota3A_1358 = tpu.iota {dimensions = array<i32: 0>} : vector<16xi32>
    %add3A_1359 = vector.broadcast %add3A_1357 : i32 to vector<16xi32>
    %add3A_1360 = arith.addi %add3A_1359, %iota3A_1358 : vector<16xi32>
    %mul3A_1361 = arith.constant 67109 : i32
    %mul3A_1362 = vector.broadcast %mul3A_1361 : i32 to vector<16xi32>
    %mul3A_1363 = arith.muli %add3A_1360, %mul3A_1362 : vector<16xi32>
    %shift_right_logical3A_1364 = arith.constant 26 : i32
    %shift_right_logical3A_1365 = vector.broadcast %shift_right_logical3A_1364 : i32 to vector<16xi32>
    %shift_right_logical3A_1366 = arith.shrui %mul3A_1363, %shift_right_logical3A_1365 : vector<16xi32>
    %mul3A_1367 = arith.constant 1000 : i32
    %mul3A_1368 = vector.broadcast %mul3A_1367 : i32 to vector<16xi32>
    %mul3A_1369 = arith.muli %shift_right_logical3A_1366, %mul3A_1368 : vector<16xi32>
    %sub3A_1370 = arith.subi %add3A_1360, %mul3A_1369 : vector<16xi32>
    %add3A_1371 = arith.addi %get3A_1353, %shift_right_logical3A_1366 : vector<16xi32>
    %shift_right_logical3A_1372 = arith.constant 3 : i32
    %shift_right_logical3A_1373 = vector.broadcast %shift_right_logical3A_1372 : i32 to vector<16xi32>
    %shift_right_logical3A_1374 = arith.shrui %sub3A_1370, %shift_right_logical3A_1373 : vector<16xi32>
    %shift_left3A_1375 = arith.constant 17 : i32
    %shift_left3A_1376 = vector.broadcast %shift_left3A_1375 : i32 to vector<16xi32>
    %shift_left3A_1377 = arith.shli %shift_right_logical3A_1374, %shift_left3A_1376 : vector<16xi32>
    %shift_right_logical3A_1378 = arith.constant 7 : i32
    %shift_right_logical3A_1379 = vector.broadcast %shift_right_logical3A_1378 : i32 to vector<16xi32>
    %shift_right_logical3A_1380 = arith.shrui %add3A_1371, %shift_right_logical3A_1379 : vector<16xi32>
    %shift_left3A_1381 = arith.constant 10 : i32
    %shift_left3A_1382 = vector.broadcast %shift_left3A_1381 : i32 to vector<16xi32>
    %shift_left3A_1383 = arith.shli %shift_right_logical3A_1380, %shift_left3A_1382 : vector<16xi32>
    %add3A_1384 = arith.addi %shift_left3A_1377, %shift_left3A_1383 : vector<16xi32>
    %and3A_1385 = arith.constant 7 : i32
    %and3A_1386 = vector.broadcast %and3A_1385 : i32 to vector<16xi32>
    %and3A_1387 = arith.andi %sub3A_1370, %and3A_1386 : vector<16xi32>
    %shift_left3A_1388 = arith.constant 7 : i32
    %shift_left3A_1389 = vector.broadcast %shift_left3A_1388 : i32 to vector<16xi32>
    %shift_left3A_1390 = arith.shli %and3A_1387, %shift_left3A_1389 : vector<16xi32>
    %add3A_1391 = arith.addi %add3A_1384, %shift_left3A_1390 : vector<16xi32>
    %and3A_1392 = arith.constant 127 : i32
    %and3A_1393 = vector.broadcast %and3A_1392 : i32 to vector<16xi32>
    %and3A_1394 = arith.andi %add3A_1371, %and3A_1393 : vector<16xi32>
    %add3A_1395 = arith.addi %add3A_1391, %and3A_1394 : vector<16xi32>
    %swap3A_1396 = arith.constant 3 : i32
    %swap3A_1397 = arith.index_cast %swap3A_1396 : i32 to index
    %swap3A_1398 = arith.constant 32 : index
    %swap3A_1399 = tpu.vector_load %arg6[%swap3A_1397, %swap3A_1398] {strides = array<i32>} : memref<4x128xi32, #tpu.memory_space<vmem>>, vector<1x16xi32>,
    %swap3A_1400 = vector.shape_cast %swap3A_1399 : vector<1x16xi32> to vector<16xi32>
    %swap3A_1401 = vector.shape_cast %add3A_1395 : vector<16xi32> to vector<1x16xi32>
    tpu.vector_store %arg6[%swap3A_1397, %swap3A_1398], %swap3A_1401 {strides = array<i32>} : memref<4x128xi32, #tpu.memory_space<vmem>>, vector<1x16xi32>,
    %get3A_1402 = arith.constant 432 : index
    %get3A_1403 = tpu.vector_load %arg5[%get3A_1402] {strides = array<i32>} : memref<512xi32, #tpu.memory_space<vmem>>, vector<16xi32>,
    %get3A_1404 = vector.shape_cast %get3A_1403 : vector<16xi32> to vector<16xi32>
    %add3A_1405 = arith.constant 384 : i32
    %add3A_1406 = arith.addi %mul3A_2, %add3A_1405 : i32
    %add3A_1407 = arith.constant 48 : i32
    %add3A_1408 = arith.addi %add3A_1406, %add3A_1407 : i32
    %iota3A_1409 = tpu.iota {dimensions = array<i32: 0>} : vector<16xi32>
    %add3A_1410 = vector.broadcast %add3A_1408 : i32 to vector<16xi32>
    %add3A_1411 = arith.addi %add3A_1410, %iota3A_1409 : vector<16xi32>
    %mul3A_1412 = arith.constant 67109 : i32
    %mul3A_1413 = vector.broadcast %mul3A_1412 : i32 to vector<16xi32>
    %mul3A_1414 = arith.muli %add3A_1411, %mul3A_1413 : vector<16xi32>
    %shift_right_logical3A_1415 = arith.constant 26 : i32
    %shift_right_logical3A_1416 = vector.broadcast %shift_right_logical3A_1415 : i32 to vector<16xi32>
    %shift_right_logical3A_1417 = arith.shrui %mul3A_1414, %shift_right_logical3A_1416 : vector<16xi32>
    %mul3A_1418 = arith.constant 1000 : i32
    %mul3A_1419 = vector.broadcast %mul3A_1418 : i32 to vector<16xi32>
    %mul3A_1420 = arith.muli %shift_right_logical3A_1417, %mul3A_1419 : vector<16xi32>
    %sub3A_1421 = arith.subi %add3A_1411, %mul3A_1420 : vector<16xi32>
    %add3A_1422 = arith.addi %get3A_1404, %shift_right_logical3A_1417 : vector<16xi32>
    %shift_right_logical3A_1423 = arith.constant 3 : i32
    %shift_right_logical3A_1424 = vector.broadcast %shift_right_logical3A_1423 : i32 to vector<16xi32>
    %shift_right_logical3A_1425 = arith.shrui %sub3A_1421, %shift_right_logical3A_1424 : vector<16xi32>
    %shift_left3A_1426 = arith.constant 17 : i32
    %shift_left3A_1427 = vector.broadcast %shift_left3A_1426 : i32 to vector<16xi32>
    %shift_left3A_1428 = arith.shli %shift_right_logical3A_1425, %shift_left3A_1427 : vector<16xi32>
    %shift_right_logical3A_1429 = arith.constant 7 : i32
    %shift_right_logical3A_1430 = vector.broadcast %shift_right_logical3A_1429 : i32 to vector<16xi32>
    %shift_right_logical3A_1431 = arith.shrui %add3A_1422, %shift_right_logical3A_1430 : vector<16xi32>
    %shift_left3A_1432 = arith.constant 10 : i32
    %shift_left3A_1433 = vector.broadcast %shift_left3A_1432 : i32 to vector<16xi32>
    %shift_left3A_1434 = arith.shli %shift_right_logical3A_1431, %shift_left3A_1433 : vector<16xi32>
    %add3A_1435 = arith.addi %shift_left3A_1428, %shift_left3A_1434 : vector<16xi32>
    %and3A_1436 = arith.constant 7 : i32
    %and3A_1437 = vector.broadcast %and3A_1436 : i32 to vector<16xi32>
    %and3A_1438 = arith.andi %sub3A_1421, %and3A_1437 : vector<16xi32>
    %shift_left3A_1439 = arith.constant 7 : i32
    %shift_left3A_1440 = vector.broadcast %shift_left3A_1439 : i32 to vector<16xi32>
    %shift_left3A_1441 = arith.shli %and3A_1438, %shift_left3A_1440 : vector<16xi32>
    %add3A_1442 = arith.addi %add3A_1435, %shift_left3A_1441 : vector<16xi32>
    %and3A_1443 = arith.constant 127 : i32
    %and3A_1444 = vector.broadcast %and3A_1443 : i32 to vector<16xi32>
    %and3A_1445 = arith.andi %add3A_1422, %and3A_1444 : vector<16xi32>
    %add3A_1446 = arith.addi %add3A_1442, %and3A_1445 : vector<16xi32>
    %swap3A_1447 = arith.constant 3 : i32
    %swap3A_1448 = arith.index_cast %swap3A_1447 : i32 to index
    %swap3A_1449 = arith.constant 48 : index
    %swap3A_1450 = tpu.vector_load %arg6[%swap3A_1448, %swap3A_1449] {strides = array<i32>} : memref<4x128xi32, #tpu.memory_space<vmem>>, vector<1x16xi32>,
    %swap3A_1451 = vector.shape_cast %swap3A_1450 : vector<1x16xi32> to vector<16xi32>
    %swap3A_1452 = vector.shape_cast %add3A_1446 : vector<16xi32> to vector<1x16xi32>
    tpu.vector_store %arg6[%swap3A_1448, %swap3A_1449], %swap3A_1452 {strides = array<i32>} : memref<4x128xi32, #tpu.memory_space<vmem>>, vector<1x16xi32>,
    %get3A_1453 = arith.constant 448 : index
    %get3A_1454 = tpu.vector_load %arg5[%get3A_1453] {strides = array<i32>} : memref<512xi32, #tpu.memory_space<vmem>>, vector<16xi32>,
    %get3A_1455 = vector.shape_cast %get3A_1454 : vector<16xi32> to vector<16xi32>
    %add3A_1456 = arith.constant 384 : i32
    %add3A_1457 = arith.addi %mul3A_2, %add3A_1456 : i32
    %add3A_1458 = arith.constant 64 : i32
    %add3A_1459 = arith.addi %add3A_1457, %add3A_1458 : i32
    %iota3A_1460 = tpu.iota {dimensions = array<i32: 0>} : vector<16xi32>
    %add3A_1461 = vector.broadcast %add3A_1459 : i32 to vector<16xi32>
    %add3A_1462 = arith.addi %add3A_1461, %iota3A_1460 : vector<16xi32>
    %mul3A_1463 = arith.constant 67109 : i32
    %mul3A_1464 = vector.broadcast %mul3A_1463 : i32 to vector<16xi32>
    %mul3A_1465 = arith.muli %add3A_1462, %mul3A_1464 : vector<16xi32>
    %shift_right_logical3A_1466 = arith.constant 26 : i32
    %shift_right_logical3A_1467 = vector.broadcast %shift_right_logical3A_1466 : i32 to vector<16xi32>
    %shift_right_logical3A_1468 = arith.shrui %mul3A_1465, %shift_right_logical3A_1467 : vector<16xi32>
    %mul3A_1469 = arith.constant 1000 : i32
    %mul3A_1470 = vector.broadcast %mul3A_1469 : i32 to vector<16xi32>
    %mul3A_1471 = arith.muli %shift_right_logical3A_1468, %mul3A_1470 : vector<16xi32>
    %sub3A_1472 = arith.subi %add3A_1462, %mul3A_1471 : vector<16xi32>
    %add3A_1473 = arith.addi %get3A_1455, %shift_right_logical3A_1468 : vector<16xi32>
    %shift_right_logical3A_1474 = arith.constant 3 : i32
    %shift_right_logical3A_1475 = vector.broadcast %shift_right_logical3A_1474 : i32 to vector<16xi32>
    %shift_right_logical3A_1476 = arith.shrui %sub3A_1472, %shift_right_logical3A_1475 : vector<16xi32>
    %shift_left3A_1477 = arith.constant 17 : i32
    %shift_left3A_1478 = vector.broadcast %shift_left3A_1477 : i32 to vector<16xi32>
    %shift_left3A_1479 = arith.shli %shift_right_logical3A_1476, %shift_left3A_1478 : vector<16xi32>
    %shift_right_logical3A_1480 = arith.constant 7 : i32
    %shift_right_logical3A_1481 = vector.broadcast %shift_right_logical3A_1480 : i32 to vector<16xi32>
    %shift_right_logical3A_1482 = arith.shrui %add3A_1473, %shift_right_logical3A_1481 : vector<16xi32>
    %shift_left3A_1483 = arith.constant 10 : i32
    %shift_left3A_1484 = vector.broadcast %shift_left3A_1483 : i32 to vector<16xi32>
    %shift_left3A_1485 = arith.shli %shift_right_logical3A_1482, %shift_left3A_1484 : vector<16xi32>
    %add3A_1486 = arith.addi %shift_left3A_1479, %shift_left3A_1485 : vector<16xi32>
    %and3A_1487 = arith.constant 7 : i32
    %and3A_1488 = vector.broadcast %and3A_1487 : i32 to vector<16xi32>
    %and3A_1489 = arith.andi %sub3A_1472, %and3A_1488 : vector<16xi32>
    %shift_left3A_1490 = arith.constant 7 : i32
    %shift_left3A_1491 = vector.broadcast %shift_left3A_1490 : i32 to vector<16xi32>
    %shift_left3A_1492 = arith.shli %and3A_1489, %shift_left3A_1491 : vector<16xi32>
    %add3A_1493 = arith.addi %add3A_1486, %shift_left3A_1492 : vector<16xi32>
    %and3A_1494 = arith.constant 127 : i32
    %and3A_1495 = vector.broadcast %and3A_1494 : i32 to vector<16xi32>
    %and3A_1496 = arith.andi %add3A_1473, %and3A_1495 : vector<16xi32>
    %add3A_1497 = arith.addi %add3A_1493, %and3A_1496 : vector<16xi32>
    %swap3A_1498 = arith.constant 3 : i32
    %swap3A_1499 = arith.index_cast %swap3A_1498 : i32 to index
    %swap3A_1500 = arith.constant 64 : index
    %swap3A_1501 = tpu.vector_load %arg6[%swap3A_1499, %swap3A_1500] {strides = array<i32>} : memref<4x128xi32, #tpu.memory_space<vmem>>, vector<1x16xi32>,
    %swap3A_1502 = vector.shape_cast %swap3A_1501 : vector<1x16xi32> to vector<16xi32>
    %swap3A_1503 = vector.shape_cast %add3A_1497 : vector<16xi32> to vector<1x16xi32>
    tpu.vector_store %arg6[%swap3A_1499, %swap3A_1500], %swap3A_1503 {strides = array<i32>} : memref<4x128xi32, #tpu.memory_space<vmem>>, vector<1x16xi32>,
    %get3A_1504 = arith.constant 464 : index
    %get3A_1505 = tpu.vector_load %arg5[%get3A_1504] {strides = array<i32>} : memref<512xi32, #tpu.memory_space<vmem>>, vector<16xi32>,
    %get3A_1506 = vector.shape_cast %get3A_1505 : vector<16xi32> to vector<16xi32>
    %add3A_1507 = arith.constant 384 : i32
    %add3A_1508 = arith.addi %mul3A_2, %add3A_1507 : i32
    %add3A_1509 = arith.constant 80 : i32
    %add3A_1510 = arith.addi %add3A_1508, %add3A_1509 : i32
    %iota3A_1511 = tpu.iota {dimensions = array<i32: 0>} : vector<16xi32>
    %add3A_1512 = vector.broadcast %add3A_1510 : i32 to vector<16xi32>
    %add3A_1513 = arith.addi %add3A_1512, %iota3A_1511 : vector<16xi32>
    %mul3A_1514 = arith.constant 67109 : i32
    %mul3A_1515 = vector.broadcast %mul3A_1514 : i32 to vector<16xi32>
    %mul3A_1516 = arith.muli %add3A_1513, %mul3A_1515 : vector<16xi32>
    %shift_right_logical3A_1517 = arith.constant 26 : i32
    %shift_right_logical3A_1518 = vector.broadcast %shift_right_logical3A_1517 : i32 to vector<16xi32>
    %shift_right_logical3A_1519 = arith.shrui %mul3A_1516, %shift_right_logical3A_1518 : vector<16xi32>
    %mul3A_1520 = arith.constant 1000 : i32
    %mul3A_1521 = vector.broadcast %mul3A_1520 : i32 to vector<16xi32>
    %mul3A_1522 = arith.muli %shift_right_logical3A_1519, %mul3A_1521 : vector<16xi32>
    %sub3A_1523 = arith.subi %add3A_1513, %mul3A_1522 : vector<16xi32>
    %add3A_1524 = arith.addi %get3A_1506, %shift_right_logical3A_1519 : vector<16xi32>
    %shift_right_logical3A_1525 = arith.constant 3 : i32
    %shift_right_logical3A_1526 = vector.broadcast %shift_right_logical3A_1525 : i32 to vector<16xi32>
    %shift_right_logical3A_1527 = arith.shrui %sub3A_1523, %shift_right_logical3A_1526 : vector<16xi32>
    %shift_left3A_1528 = arith.constant 17 : i32
    %shift_left3A_1529 = vector.broadcast %shift_left3A_1528 : i32 to vector<16xi32>
    %shift_left3A_1530 = arith.shli %shift_right_logical3A_1527, %shift_left3A_1529 : vector<16xi32>
    %shift_right_logical3A_1531 = arith.constant 7 : i32
    %shift_right_logical3A_1532 = vector.broadcast %shift_right_logical3A_1531 : i32 to vector<16xi32>
    %shift_right_logical3A_1533 = arith.shrui %add3A_1524, %shift_right_logical3A_1532 : vector<16xi32>
    %shift_left3A_1534 = arith.constant 10 : i32
    %shift_left3A_1535 = vector.broadcast %shift_left3A_1534 : i32 to vector<16xi32>
    %shift_left3A_1536 = arith.shli %shift_right_logical3A_1533, %shift_left3A_1535 : vector<16xi32>
    %add3A_1537 = arith.addi %shift_left3A_1530, %shift_left3A_1536 : vector<16xi32>
    %and3A_1538 = arith.constant 7 : i32
    %and3A_1539 = vector.broadcast %and3A_1538 : i32 to vector<16xi32>
    %and3A_1540 = arith.andi %sub3A_1523, %and3A_1539 : vector<16xi32>
    %shift_left3A_1541 = arith.constant 7 : i32
    %shift_left3A_1542 = vector.broadcast %shift_left3A_1541 : i32 to vector<16xi32>
    %shift_left3A_1543 = arith.shli %and3A_1540, %shift_left3A_1542 : vector<16xi32>
    %add3A_1544 = arith.addi %add3A_1537, %shift_left3A_1543 : vector<16xi32>
    %and3A_1545 = arith.constant 127 : i32
    %and3A_1546 = vector.broadcast %and3A_1545 : i32 to vector<16xi32>
    %and3A_1547 = arith.andi %add3A_1524, %and3A_1546 : vector<16xi32>
    %add3A_1548 = arith.addi %add3A_1544, %and3A_1547 : vector<16xi32>
    %swap3A_1549 = arith.constant 3 : i32
    %swap3A_1550 = arith.index_cast %swap3A_1549 : i32 to index
    %swap3A_1551 = arith.constant 80 : index
    %swap3A_1552 = tpu.vector_load %arg6[%swap3A_1550, %swap3A_1551] {strides = array<i32>} : memref<4x128xi32, #tpu.memory_space<vmem>>, vector<1x16xi32>,
    %swap3A_1553 = vector.shape_cast %swap3A_1552 : vector<1x16xi32> to vector<16xi32>
    %swap3A_1554 = vector.shape_cast %add3A_1548 : vector<16xi32> to vector<1x16xi32>
    tpu.vector_store %arg6[%swap3A_1550, %swap3A_1551], %swap3A_1554 {strides = array<i32>} : memref<4x128xi32, #tpu.memory_space<vmem>>, vector<1x16xi32>,
    %get3A_1555 = arith.constant 480 : index
    %get3A_1556 = tpu.vector_load %arg5[%get3A_1555] {strides = array<i32>} : memref<512xi32, #tpu.memory_space<vmem>>, vector<16xi32>,
    %get3A_1557 = vector.shape_cast %get3A_1556 : vector<16xi32> to vector<16xi32>
    %add3A_1558 = arith.constant 384 : i32
    %add3A_1559 = arith.addi %mul3A_2, %add3A_1558 : i32
    %add3A_1560 = arith.constant 96 : i32
    %add3A_1561 = arith.addi %add3A_1559, %add3A_1560 : i32
    %iota3A_1562 = tpu.iota {dimensions = array<i32: 0>} : vector<16xi32>
    %add3A_1563 = vector.broadcast %add3A_1561 : i32 to vector<16xi32>
    %add3A_1564 = arith.addi %add3A_1563, %iota3A_1562 : vector<16xi32>
    %mul3A_1565 = arith.constant 67109 : i32
    %mul3A_1566 = vector.broadcast %mul3A_1565 : i32 to vector<16xi32>
    %mul3A_1567 = arith.muli %add3A_1564, %mul3A_1566 : vector<16xi32>
    %shift_right_logical3A_1568 = arith.constant 26 : i32
    %shift_right_logical3A_1569 = vector.broadcast %shift_right_logical3A_1568 : i32 to vector<16xi32>
    %shift_right_logical3A_1570 = arith.shrui %mul3A_1567, %shift_right_logical3A_1569 : vector<16xi32>
    %mul3A_1571 = arith.constant 1000 : i32
    %mul3A_1572 = vector.broadcast %mul3A_1571 : i32 to vector<16xi32>
    %mul3A_1573 = arith.muli %shift_right_logical3A_1570, %mul3A_1572 : vector<16xi32>
    %sub3A_1574 = arith.subi %add3A_1564, %mul3A_1573 : vector<16xi32>
    %add3A_1575 = arith.addi %get3A_1557, %shift_right_logical3A_1570 : vector<16xi32>
    %shift_right_logical3A_1576 = arith.constant 3 : i32
    %shift_right_logical3A_1577 = vector.broadcast %shift_right_logical3A_1576 : i32 to vector<16xi32>
    %shift_right_logical3A_1578 = arith.shrui %sub3A_1574, %shift_right_logical3A_1577 : vector<16xi32>
    %shift_left3A_1579 = arith.constant 17 : i32
    %shift_left3A_1580 = vector.broadcast %shift_left3A_1579 : i32 to vector<16xi32>
    %shift_left3A_1581 = arith.shli %shift_right_logical3A_1578, %shift_left3A_1580 : vector<16xi32>
    %shift_right_logical3A_1582 = arith.constant 7 : i32
    %shift_right_logical3A_1583 = vector.broadcast %shift_right_logical3A_1582 : i32 to vector<16xi32>
    %shift_right_logical3A_1584 = arith.shrui %add3A_1575, %shift_right_logical3A_1583 : vector<16xi32>
    %shift_left3A_1585 = arith.constant 10 : i32
    %shift_left3A_1586 = vector.broadcast %shift_left3A_1585 : i32 to vector<16xi32>
    %shift_left3A_1587 = arith.shli %shift_right_logical3A_1584, %shift_left3A_1586 : vector<16xi32>
    %add3A_1588 = arith.addi %shift_left3A_1581, %shift_left3A_1587 : vector<16xi32>
    %and3A_1589 = arith.constant 7 : i32
    %and3A_1590 = vector.broadcast %and3A_1589 : i32 to vector<16xi32>
    %and3A_1591 = arith.andi %sub3A_1574, %and3A_1590 : vector<16xi32>
    %shift_left3A_1592 = arith.constant 7 : i32
    %shift_left3A_1593 = vector.broadcast %shift_left3A_1592 : i32 to vector<16xi32>
    %shift_left3A_1594 = arith.shli %and3A_1591, %shift_left3A_1593 : vector<16xi32>
    %add3A_1595 = arith.addi %add3A_1588, %shift_left3A_1594 : vector<16xi32>
    %and3A_1596 = arith.constant 127 : i32
    %and3A_1597 = vector.broadcast %and3A_1596 : i32 to vector<16xi32>
    %and3A_1598 = arith.andi %add3A_1575, %and3A_1597 : vector<16xi32>
    %add3A_1599 = arith.addi %add3A_1595, %and3A_1598 : vector<16xi32>
    %swap3A_1600 = arith.constant 3 : i32
    %swap3A_1601 = arith.index_cast %swap3A_1600 : i32 to index
    %swap3A_1602 = arith.constant 96 : index
    %swap3A_1603 = tpu.vector_load %arg6[%swap3A_1601, %swap3A_1602] {strides = array<i32>} : memref<4x128xi32, #tpu.memory_space<vmem>>, vector<1x16xi32>,
    %swap3A_1604 = vector.shape_cast %swap3A_1603 : vector<1x16xi32> to vector<16xi32>
    %swap3A_1605 = vector.shape_cast %add3A_1599 : vector<16xi32> to vector<1x16xi32>
    tpu.vector_store %arg6[%swap3A_1601, %swap3A_1602], %swap3A_1605 {strides = array<i32>} : memref<4x128xi32, #tpu.memory_space<vmem>>, vector<1x16xi32>,
    %get3A_1606 = arith.constant 496 : index
    %get3A_1607 = tpu.vector_load %arg5[%get3A_1606] {strides = array<i32>} : memref<512xi32, #tpu.memory_space<vmem>>, vector<16xi32>,
    %get3A_1608 = vector.shape_cast %get3A_1607 : vector<16xi32> to vector<16xi32>
    %add3A_1609 = arith.constant 384 : i32
    %add3A_1610 = arith.addi %mul3A_2, %add3A_1609 : i32
    %add3A_1611 = arith.constant 112 : i32
    %add3A_1612 = arith.addi %add3A_1610, %add3A_1611 : i32
    %iota3A_1613 = tpu.iota {dimensions = array<i32: 0>} : vector<16xi32>
    %add3A_1614 = vector.broadcast %add3A_1612 : i32 to vector<16xi32>
    %add3A_1615 = arith.addi %add3A_1614, %iota3A_1613 : vector<16xi32>
    %mul3A_1616 = arith.constant 67109 : i32
    %mul3A_1617 = vector.broadcast %mul3A_1616 : i32 to vector<16xi32>
    %mul3A_1618 = arith.muli %add3A_1615, %mul3A_1617 : vector<16xi32>
    %shift_right_logical3A_1619 = arith.constant 26 : i32
    %shift_right_logical3A_1620 = vector.broadcast %shift_right_logical3A_1619 : i32 to vector<16xi32>
    %shift_right_logical3A_1621 = arith.shrui %mul3A_1618, %shift_right_logical3A_1620 : vector<16xi32>
    %mul3A_1622 = arith.constant 1000 : i32
    %mul3A_1623 = vector.broadcast %mul3A_1622 : i32 to vector<16xi32>
    %mul3A_1624 = arith.muli %shift_right_logical3A_1621, %mul3A_1623 : vector<16xi32>
    %sub3A_1625 = arith.subi %add3A_1615, %mul3A_1624 : vector<16xi32>
    %add3A_1626 = arith.addi %get3A_1608, %shift_right_logical3A_1621 : vector<16xi32>
    %shift_right_logical3A_1627 = arith.constant 3 : i32
    %shift_right_logical3A_1628 = vector.broadcast %shift_right_logical3A_1627 : i32 to vector<16xi32>
    %shift_right_logical3A_1629 = arith.shrui %sub3A_1625, %shift_right_logical3A_1628 : vector<16xi32>
    %shift_left3A_1630 = arith.constant 17 : i32
    %shift_left3A_1631 = vector.broadcast %shift_left3A_1630 : i32 to vector<16xi32>
    %shift_left3A_1632 = arith.shli %shift_right_logical3A_1629, %shift_left3A_1631 : vector<16xi32>
    %shift_right_logical3A_1633 = arith.constant 7 : i32
    %shift_right_logical3A_1634 = vector.broadcast %shift_right_logical3A_1633 : i32 to vector<16xi32>
    %shift_right_logical3A_1635 = arith.shrui %add3A_1626, %shift_right_logical3A_1634 : vector<16xi32>
    %shift_left3A_1636 = arith.constant 10 : i32
    %shift_left3A_1637 = vector.broadcast %shift_left3A_1636 : i32 to vector<16xi32>
    %shift_left3A_1638 = arith.shli %shift_right_logical3A_1635, %shift_left3A_1637 : vector<16xi32>
    %add3A_1639 = arith.addi %shift_left3A_1632, %shift_left3A_1638 : vector<16xi32>
    %and3A_1640 = arith.constant 7 : i32
    %and3A_1641 = vector.broadcast %and3A_1640 : i32 to vector<16xi32>
    %and3A_1642 = arith.andi %sub3A_1625, %and3A_1641 : vector<16xi32>
    %shift_left3A_1643 = arith.constant 7 : i32
    %shift_left3A_1644 = vector.broadcast %shift_left3A_1643 : i32 to vector<16xi32>
    %shift_left3A_1645 = arith.shli %and3A_1642, %shift_left3A_1644 : vector<16xi32>
    %add3A_1646 = arith.addi %add3A_1639, %shift_left3A_1645 : vector<16xi32>
    %and3A_1647 = arith.constant 127 : i32
    %and3A_1648 = vector.broadcast %and3A_1647 : i32 to vector<16xi32>
    %and3A_1649 = arith.andi %add3A_1626, %and3A_1648 : vector<16xi32>
    %add3A_1650 = arith.addi %add3A_1646, %and3A_1649 : vector<16xi32>
    %swap3A_1651 = arith.constant 3 : i32
    %swap3A_1652 = arith.index_cast %swap3A_1651 : i32 to index
    %swap3A_1653 = arith.constant 112 : index
    %swap3A_1654 = tpu.vector_load %arg6[%swap3A_1652, %swap3A_1653] {strides = array<i32>} : memref<4x128xi32, #tpu.memory_space<vmem>>, vector<1x16xi32>,
    %swap3A_1655 = vector.shape_cast %swap3A_1654 : vector<1x16xi32> to vector<16xi32>
    %swap3A_1656 = vector.shape_cast %add3A_1650 : vector<16xi32> to vector<1x16xi32>
    tpu.vector_store %arg6[%swap3A_1652, %swap3A_1653], %swap3A_1656 {strides = array<i32>} : memref<4x128xi32, #tpu.memory_space<vmem>>, vector<1x16xi32>,
    %dma_start3A_1657 = arith.constant 3 : i32
    %dma_start3A_1658 = arith.constant 3 : i32
    %dma_start3A_1659 = arith.constant 0 : i32
    %dma_start3A_1660 = tpu.memref_slice %arg7[%dma_start3A_1658, %dma_start3A_1659] : memref<4x128xf32, #tpu.memory_space<vmem>> -> memref<1x128xf32, #tpu.memory_space<vmem>>
    %dma_start3A_1661 = tpu.memref_squeeze %dma_start3A_1660 : memref<1x128xf32, #tpu.memory_space<vmem>> -> memref<128xf32, #tpu.memory_space<vmem>>
    %dma_start3A_1662 = arith.constant 0 : i32
    %dma_start3A_1663 = tpu.memref_slice %arg6[%dma_start3A_1657, %dma_start3A_1662] : memref<4x128xi32, #tpu.memory_space<vmem>> -> memref<1x128xi32, #tpu.memory_space<vmem>>
    %dma_start3A_1664 = tpu.memref_squeeze %dma_start3A_1663 : memref<1x128xi32, #tpu.memory_space<vmem>> -> memref<128xi32, #tpu.memory_space<vmem>>
    %dma_start3A_1665 = arith.constant 0 : i32
    %dma_start3A_1666 = tpu.memref_slice %arg2[%dma_start3A_1665] : memref<16384000xf32, #tpu.memory_space<hbm>> -> memref<16384000xf32, #tpu.memory_space<hbm>>
    tpu.enqueue_indirect_dma source(%dma_start3A_1666 : memref<16384000xf32, #tpu.memory_space<hbm>>) target(%dma_start3A_1661 : memref<128xf32, #tpu.memory_space<vmem>>) offsets(%dma_start3A_1664 : memref<128xi32, #tpu.memory_space<vmem>>) semaphore(%arg9 : memref<!tpu.dma_semaphore, #tpu.memory_space<semaphore_mem>>)
    %broadcast_in_dim3A = arith.constant 0.000000e+00 : f32
    %broadcast_in_dim3A_1667 = vector.broadcast %broadcast_in_dim3A : f32 to vector<16xf32>
    %dma_wait3A = arith.constant 0 : i32
    %dma_wait3A_1668 = arith.constant 0 : i32
    %dma_wait3A_1669 = arith.constant 0 : i32
    %dma_wait3A_1670 = tpu.memref_slice %arg7[%dma_wait3A_1668, %dma_wait3A_1669] : memref<4x128xf32, #tpu.memory_space<vmem>> -> memref<1x128xf32, #tpu.memory_space<vmem>>
    %dma_wait3A_1671 = tpu.memref_squeeze %dma_wait3A_1670 : memref<1x128xf32, #tpu.memory_space<vmem>> -> memref<128xf32, #tpu.memory_space<vmem>>
    %dma_wait3A_1672 = arith.constant 0 : i32
    %dma_wait3A_1673 = tpu.memref_slice %arg6[%dma_wait3A, %dma_wait3A_1672] : memref<4x128xi32, #tpu.memory_space<vmem>> -> memref<1x128xi32, #tpu.memory_space<vmem>>
    %dma_wait3A_1674 = tpu.memref_squeeze %dma_wait3A_1673 : memref<1x128xi32, #tpu.memory_space<vmem>> -> memref<128xi32, #tpu.memory_space<vmem>>
    %dma_wait3A_1675 = arith.constant 0 : i32
    %dma_wait3A_1676 = tpu.memref_slice %arg2[%dma_wait3A_1675] : memref<16384000xf32, #tpu.memory_space<hbm>> -> memref<16384000xf32, #tpu.memory_space<hbm>>
    tpu.wait_indirect_dma semaphore(%arg9 : memref<!tpu.dma_semaphore, #tpu.memory_space<semaphore_mem>>) src(%dma_wait3A_1676 : memref<16384000xf32, #tpu.memory_space<hbm>>) dst(%dma_wait3A_1671 : memref<128xf32, #tpu.memory_space<vmem>>)
    %get3A_1677 = arith.constant 0 : i32
    %get3A_1678 = arith.index_cast %get3A_1677 : i32 to index
    %get3A_1679 = arith.constant 0 : index
    %get3A_1680 = tpu.vector_load %arg7[%get3A_1678, %get3A_1679] {strides = array<i32>} : memref<4x128xf32, #tpu.memory_space<vmem>>, vector<1x16xf32>,
    %get3A_1681 = vector.shape_cast %get3A_1680 : vector<1x16xf32> to vector<16xf32>
    %add3A_1682 = arith.addf %broadcast_in_dim3A_1667, %get3A_1681 : vector<16xf32>
    %get3A_1683 = arith.constant 0 : i32
    %get3A_1684 = arith.index_cast %get3A_1683 : i32 to index
    %get3A_1685 = arith.constant 16 : index
    %get3A_1686 = tpu.vector_load %arg7[%get3A_1684, %get3A_1685] {strides = array<i32>} : memref<4x128xf32, #tpu.memory_space<vmem>>, vector<1x16xf32>,
    %get3A_1687 = vector.shape_cast %get3A_1686 : vector<1x16xf32> to vector<16xf32>
    %add3A_1688 = arith.addf %add3A_1682, %get3A_1687 : vector<16xf32>
    %get3A_1689 = arith.constant 0 : i32
    %get3A_1690 = arith.index_cast %get3A_1689 : i32 to index
    %get3A_1691 = arith.constant 32 : index
    %get3A_1692 = tpu.vector_load %arg7[%get3A_1690, %get3A_1691] {strides = array<i32>} : memref<4x128xf32, #tpu.memory_space<vmem>>, vector<1x16xf32>,
    %get3A_1693 = vector.shape_cast %get3A_1692 : vector<1x16xf32> to vector<16xf32>
    %add3A_1694 = arith.addf %add3A_1688, %get3A_1693 : vector<16xf32>
    %get3A_1695 = arith.constant 0 : i32
    %get3A_1696 = arith.index_cast %get3A_1695 : i32 to index
    %get3A_1697 = arith.constant 48 : index
    %get3A_1698 = tpu.vector_load %arg7[%get3A_1696, %get3A_1697] {strides = array<i32>} : memref<4x128xf32, #tpu.memory_space<vmem>>, vector<1x16xf32>,
    %get3A_1699 = vector.shape_cast %get3A_1698 : vector<1x16xf32> to vector<16xf32>
    %add3A_1700 = arith.addf %add3A_1694, %get3A_1699 : vector<16xf32>
    %get3A_1701 = arith.constant 0 : i32
    %get3A_1702 = arith.index_cast %get3A_1701 : i32 to index
    %get3A_1703 = arith.constant 64 : index
    %get3A_1704 = tpu.vector_load %arg7[%get3A_1702, %get3A_1703] {strides = array<i32>} : memref<4x128xf32, #tpu.memory_space<vmem>>, vector<1x16xf32>,
    %get3A_1705 = vector.shape_cast %get3A_1704 : vector<1x16xf32> to vector<16xf32>
    %add3A_1706 = arith.addf %add3A_1700, %get3A_1705 : vector<16xf32>
    %get3A_1707 = arith.constant 0 : i32
    %get3A_1708 = arith.index_cast %get3A_1707 : i32 to index
    %get3A_1709 = arith.constant 80 : index
    %get3A_1710 = tpu.vector_load %arg7[%get3A_1708, %get3A_1709] {strides = array<i32>} : memref<4x128xf32, #tpu.memory_space<vmem>>, vector<1x16xf32>,
    %get3A_1711 = vector.shape_cast %get3A_1710 : vector<1x16xf32> to vector<16xf32>
    %add3A_1712 = arith.addf %add3A_1706, %get3A_1711 : vector<16xf32>
    %get3A_1713 = arith.constant 0 : i32
    %get3A_1714 = arith.index_cast %get3A_1713 : i32 to index
    %get3A_1715 = arith.constant 96 : index
    %get3A_1716 = tpu.vector_load %arg7[%get3A_1714, %get3A_1715] {strides = array<i32>} : memref<4x128xf32, #tpu.memory_space<vmem>>, vector<1x16xf32>,
    %get3A_1717 = vector.shape_cast %get3A_1716 : vector<1x16xf32> to vector<16xf32>
    %add3A_1718 = arith.addf %add3A_1712, %get3A_1717 : vector<16xf32>
    %get3A_1719 = arith.constant 0 : i32
    %get3A_1720 = arith.index_cast %get3A_1719 : i32 to index
    %get3A_1721 = arith.constant 112 : index
    %get3A_1722 = tpu.vector_load %arg7[%get3A_1720, %get3A_1721] {strides = array<i32>} : memref<4x128xf32, #tpu.memory_space<vmem>>, vector<1x16xf32>,
    %get3A_1723 = vector.shape_cast %get3A_1722 : vector<1x16xf32> to vector<16xf32>
    %add3A_1724 = arith.addf %add3A_1718, %get3A_1723 : vector<16xf32>
    %dma_wait3A_1725 = arith.constant 1 : i32
    %dma_wait3A_1726 = arith.constant 1 : i32
    %dma_wait3A_1727 = arith.constant 0 : i32
    %dma_wait3A_1728 = tpu.memref_slice %arg7[%dma_wait3A_1726, %dma_wait3A_1727] : memref<4x128xf32, #tpu.memory_space<vmem>> -> memref<1x128xf32, #tpu.memory_space<vmem>>
    %dma_wait3A_1729 = tpu.memref_squeeze %dma_wait3A_1728 : memref<1x128xf32, #tpu.memory_space<vmem>> -> memref<128xf32, #tpu.memory_space<vmem>>
    %dma_wait3A_1730 = arith.constant 0 : i32
    %dma_wait3A_1731 = tpu.memref_slice %arg6[%dma_wait3A_1725, %dma_wait3A_1730] : memref<4x128xi32, #tpu.memory_space<vmem>> -> memref<1x128xi32, #tpu.memory_space<vmem>>
    %dma_wait3A_1732 = tpu.memref_squeeze %dma_wait3A_1731 : memref<1x128xi32, #tpu.memory_space<vmem>> -> memref<128xi32, #tpu.memory_space<vmem>>
    %dma_wait3A_1733 = arith.constant 0 : i32
    %dma_wait3A_1734 = tpu.memref_slice %arg2[%dma_wait3A_1733] : memref<16384000xf32, #tpu.memory_space<hbm>> -> memref<16384000xf32, #tpu.memory_space<hbm>>
    tpu.wait_indirect_dma semaphore(%arg9 : memref<!tpu.dma_semaphore, #tpu.memory_space<semaphore_mem>>) src(%dma_wait3A_1734 : memref<16384000xf32, #tpu.memory_space<hbm>>) dst(%dma_wait3A_1729 : memref<128xf32, #tpu.memory_space<vmem>>)
    %get3A_1735 = arith.constant 1 : i32
    %get3A_1736 = arith.index_cast %get3A_1735 : i32 to index
    %get3A_1737 = arith.constant 0 : index
    %get3A_1738 = tpu.vector_load %arg7[%get3A_1736, %get3A_1737] {strides = array<i32>} : memref<4x128xf32, #tpu.memory_space<vmem>>, vector<1x16xf32>,
    %get3A_1739 = vector.shape_cast %get3A_1738 : vector<1x16xf32> to vector<16xf32>
    %add3A_1740 = arith.addf %add3A_1724, %get3A_1739 : vector<16xf32>
    %get3A_1741 = arith.constant 1 : i32
    %get3A_1742 = arith.index_cast %get3A_1741 : i32 to index
    %get3A_1743 = arith.constant 16 : index
    %get3A_1744 = tpu.vector_load %arg7[%get3A_1742, %get3A_1743] {strides = array<i32>} : memref<4x128xf32, #tpu.memory_space<vmem>>, vector<1x16xf32>,
    %get3A_1745 = vector.shape_cast %get3A_1744 : vector<1x16xf32> to vector<16xf32>
    %add3A_1746 = arith.addf %add3A_1740, %get3A_1745 : vector<16xf32>
    %get3A_1747 = arith.constant 1 : i32
    %get3A_1748 = arith.index_cast %get3A_1747 : i32 to index
    %get3A_1749 = arith.constant 32 : index
    %get3A_1750 = tpu.vector_load %arg7[%get3A_1748, %get3A_1749] {strides = array<i32>} : memref<4x128xf32, #tpu.memory_space<vmem>>, vector<1x16xf32>,
    %get3A_1751 = vector.shape_cast %get3A_1750 : vector<1x16xf32> to vector<16xf32>
    %add3A_1752 = arith.addf %add3A_1746, %get3A_1751 : vector<16xf32>
    %get3A_1753 = arith.constant 1 : i32
    %get3A_1754 = arith.index_cast %get3A_1753 : i32 to index
    %get3A_1755 = arith.constant 48 : index
    %get3A_1756 = tpu.vector_load %arg7[%get3A_1754, %get3A_1755] {strides = array<i32>} : memref<4x128xf32, #tpu.memory_space<vmem>>, vector<1x16xf32>,
    %get3A_1757 = vector.shape_cast %get3A_1756 : vector<1x16xf32> to vector<16xf32>
    %add3A_1758 = arith.addf %add3A_1752, %get3A_1757 : vector<16xf32>
    %get3A_1759 = arith.constant 1 : i32
    %get3A_1760 = arith.index_cast %get3A_1759 : i32 to index
    %get3A_1761 = arith.constant 64 : index
    %get3A_1762 = tpu.vector_load %arg7[%get3A_1760, %get3A_1761] {strides = array<i32>} : memref<4x128xf32, #tpu.memory_space<vmem>>, vector<1x16xf32>,
    %get3A_1763 = vector.shape_cast %get3A_1762 : vector<1x16xf32> to vector<16xf32>
    %add3A_1764 = arith.addf %add3A_1758, %get3A_1763 : vector<16xf32>
    %get3A_1765 = arith.constant 1 : i32
    %get3A_1766 = arith.index_cast %get3A_1765 : i32 to index
    %get3A_1767 = arith.constant 80 : index
    %get3A_1768 = tpu.vector_load %arg7[%get3A_1766, %get3A_1767] {strides = array<i32>} : memref<4x128xf32, #tpu.memory_space<vmem>>, vector<1x16xf32>,
    %get3A_1769 = vector.shape_cast %get3A_1768 : vector<1x16xf32> to vector<16xf32>
    %add3A_1770 = arith.addf %add3A_1764, %get3A_1769 : vector<16xf32>
    %get3A_1771 = arith.constant 1 : i32
    %get3A_1772 = arith.index_cast %get3A_1771 : i32 to index
    %get3A_1773 = arith.constant 96 : index
    %get3A_1774 = tpu.vector_load %arg7[%get3A_1772, %get3A_1773] {strides = array<i32>} : memref<4x128xf32, #tpu.memory_space<vmem>>, vector<1x16xf32>,
    %get3A_1775 = vector.shape_cast %get3A_1774 : vector<1x16xf32> to vector<16xf32>
    %add3A_1776 = arith.addf %add3A_1770, %get3A_1775 : vector<16xf32>
    %get3A_1777 = arith.constant 1 : i32
    %get3A_1778 = arith.index_cast %get3A_1777 : i32 to index
    %get3A_1779 = arith.constant 112 : index
    %get3A_1780 = tpu.vector_load %arg7[%get3A_1778, %get3A_1779] {strides = array<i32>} : memref<4x128xf32, #tpu.memory_space<vmem>>, vector<1x16xf32>,
    %get3A_1781 = vector.shape_cast %get3A_1780 : vector<1x16xf32> to vector<16xf32>
    %add3A_1782 = arith.addf %add3A_1776, %get3A_1781 : vector<16xf32>
    %dma_wait3A_1783 = arith.constant 2 : i32
    %dma_wait3A_1784 = arith.constant 2 : i32
    %dma_wait3A_1785 = arith.constant 0 : i32
    %dma_wait3A_1786 = tpu.memref_slice %arg7[%dma_wait3A_1784, %dma_wait3A_1785] : memref<4x128xf32, #tpu.memory_space<vmem>> -> memref<1x128xf32, #tpu.memory_space<vmem>>
    %dma_wait3A_1787 = tpu.memref_squeeze %dma_wait3A_1786 : memref<1x128xf32, #tpu.memory_space<vmem>> -> memref<128xf32, #tpu.memory_space<vmem>>
    %dma_wait3A_1788 = arith.constant 0 : i32
    %dma_wait3A_1789 = tpu.memref_slice %arg6[%dma_wait3A_1783, %dma_wait3A_1788] : memref<4x128xi32, #tpu.memory_space<vmem>> -> memref<1x128xi32, #tpu.memory_space<vmem>>
    %dma_wait3A_1790 = tpu.memref_squeeze %dma_wait3A_1789 : memref<1x128xi32, #tpu.memory_space<vmem>> -> memref<128xi32, #tpu.memory_space<vmem>>
    %dma_wait3A_1791 = arith.constant 0 : i32
    %dma_wait3A_1792 = tpu.memref_slice %arg2[%dma_wait3A_1791] : memref<16384000xf32, #tpu.memory_space<hbm>> -> memref<16384000xf32, #tpu.memory_space<hbm>>
    tpu.wait_indirect_dma semaphore(%arg9 : memref<!tpu.dma_semaphore, #tpu.memory_space<semaphore_mem>>) src(%dma_wait3A_1792 : memref<16384000xf32, #tpu.memory_space<hbm>>) dst(%dma_wait3A_1787 : memref<128xf32, #tpu.memory_space<vmem>>)
    %get3A_1793 = arith.constant 2 : i32
    %get3A_1794 = arith.index_cast %get3A_1793 : i32 to index
    %get3A_1795 = arith.constant 0 : index
    %get3A_1796 = tpu.vector_load %arg7[%get3A_1794, %get3A_1795] {strides = array<i32>} : memref<4x128xf32, #tpu.memory_space<vmem>>, vector<1x16xf32>,
    %get3A_1797 = vector.shape_cast %get3A_1796 : vector<1x16xf32> to vector<16xf32>
    %add3A_1798 = arith.addf %add3A_1782, %get3A_1797 : vector<16xf32>
    %get3A_1799 = arith.constant 2 : i32
    %get3A_1800 = arith.index_cast %get3A_1799 : i32 to index
    %get3A_1801 = arith.constant 16 : index
    %get3A_1802 = tpu.vector_load %arg7[%get3A_1800, %get3A_1801] {strides = array<i32>} : memref<4x128xf32, #tpu.memory_space<vmem>>, vector<1x16xf32>,
    %get3A_1803 = vector.shape_cast %get3A_1802 : vector<1x16xf32> to vector<16xf32>
    %add3A_1804 = arith.addf %add3A_1798, %get3A_1803 : vector<16xf32>
    %get3A_1805 = arith.constant 2 : i32
    %get3A_1806 = arith.index_cast %get3A_1805 : i32 to index
    %get3A_1807 = arith.constant 32 : index
    %get3A_1808 = tpu.vector_load %arg7[%get3A_1806, %get3A_1807] {strides = array<i32>} : memref<4x128xf32, #tpu.memory_space<vmem>>, vector<1x16xf32>,
    %get3A_1809 = vector.shape_cast %get3A_1808 : vector<1x16xf32> to vector<16xf32>
    %add3A_1810 = arith.addf %add3A_1804, %get3A_1809 : vector<16xf32>
    %get3A_1811 = arith.constant 2 : i32
    %get3A_1812 = arith.index_cast %get3A_1811 : i32 to index
    %get3A_1813 = arith.constant 48 : index
    %get3A_1814 = tpu.vector_load %arg7[%get3A_1812, %get3A_1813] {strides = array<i32>} : memref<4x128xf32, #tpu.memory_space<vmem>>, vector<1x16xf32>,
    %get3A_1815 = vector.shape_cast %get3A_1814 : vector<1x16xf32> to vector<16xf32>
    %add3A_1816 = arith.addf %add3A_1810, %get3A_1815 : vector<16xf32>
    %get3A_1817 = arith.constant 2 : i32
    %get3A_1818 = arith.index_cast %get3A_1817 : i32 to index
    %get3A_1819 = arith.constant 64 : index
    %get3A_1820 = tpu.vector_load %arg7[%get3A_1818, %get3A_1819] {strides = array<i32>} : memref<4x128xf32, #tpu.memory_space<vmem>>, vector<1x16xf32>,
    %get3A_1821 = vector.shape_cast %get3A_1820 : vector<1x16xf32> to vector<16xf32>
    %add3A_1822 = arith.addf %add3A_1816, %get3A_1821 : vector<16xf32>
    %get3A_1823 = arith.constant 2 : i32
    %get3A_1824 = arith.index_cast %get3A_1823 : i32 to index
    %get3A_1825 = arith.constant 80 : index
    %get3A_1826 = tpu.vector_load %arg7[%get3A_1824, %get3A_1825] {strides = array<i32>} : memref<4x128xf32, #tpu.memory_space<vmem>>, vector<1x16xf32>,
    %get3A_1827 = vector.shape_cast %get3A_1826 : vector<1x16xf32> to vector<16xf32>
    %add3A_1828 = arith.addf %add3A_1822, %get3A_1827 : vector<16xf32>
    %get3A_1829 = arith.constant 2 : i32
    %get3A_1830 = arith.index_cast %get3A_1829 : i32 to index
    %get3A_1831 = arith.constant 96 : index
    %get3A_1832 = tpu.vector_load %arg7[%get3A_1830, %get3A_1831] {strides = array<i32>} : memref<4x128xf32, #tpu.memory_space<vmem>>, vector<1x16xf32>,
    %get3A_1833 = vector.shape_cast %get3A_1832 : vector<1x16xf32> to vector<16xf32>
    %add3A_1834 = arith.addf %add3A_1828, %get3A_1833 : vector<16xf32>
    %get3A_1835 = arith.constant 2 : i32
    %get3A_1836 = arith.index_cast %get3A_1835 : i32 to index
    %get3A_1837 = arith.constant 112 : index
    %get3A_1838 = tpu.vector_load %arg7[%get3A_1836, %get3A_1837] {strides = array<i32>} : memref<4x128xf32, #tpu.memory_space<vmem>>, vector<1x16xf32>,
    %get3A_1839 = vector.shape_cast %get3A_1838 : vector<1x16xf32> to vector<16xf32>
    %add3A_1840 = arith.addf %add3A_1834, %get3A_1839 : vector<16xf32>
    %dma_wait3A_1841 = arith.constant 3 : i32
    %dma_wait3A_1842 = arith.constant 3 : i32
    %dma_wait3A_1843 = arith.constant 0 : i32
    %dma_wait3A_1844 = tpu.memref_slice %arg7[%dma_wait3A_1842, %dma_wait3A_1843] : memref<4x128xf32, #tpu.memory_space<vmem>> -> memref<1x128xf32, #tpu.memory_space<vmem>>
    %dma_wait3A_1845 = tpu.memref_squeeze %dma_wait3A_1844 : memref<1x128xf32, #tpu.memory_space<vmem>> -> memref<128xf32, #tpu.memory_space<vmem>>
    %dma_wait3A_1846 = arith.constant 0 : i32
    %dma_wait3A_1847 = tpu.memref_slice %arg6[%dma_wait3A_1841, %dma_wait3A_1846] : memref<4x128xi32, #tpu.memory_space<vmem>> -> memref<1x128xi32, #tpu.memory_space<vmem>>
    %dma_wait3A_1848 = tpu.memref_squeeze %dma_wait3A_1847 : memref<1x128xi32, #tpu.memory_space<vmem>> -> memref<128xi32, #tpu.memory_space<vmem>>
    %dma_wait3A_1849 = arith.constant 0 : i32
    %dma_wait3A_1850 = tpu.memref_slice %arg2[%dma_wait3A_1849] : memref<16384000xf32, #tpu.memory_space<hbm>> -> memref<16384000xf32, #tpu.memory_space<hbm>>
    tpu.wait_indirect_dma semaphore(%arg9 : memref<!tpu.dma_semaphore, #tpu.memory_space<semaphore_mem>>) src(%dma_wait3A_1850 : memref<16384000xf32, #tpu.memory_space<hbm>>) dst(%dma_wait3A_1845 : memref<128xf32, #tpu.memory_space<vmem>>)
    %get3A_1851 = arith.constant 3 : i32
    %get3A_1852 = arith.index_cast %get3A_1851 : i32 to index
    %get3A_1853 = arith.constant 0 : index
    %get3A_1854 = tpu.vector_load %arg7[%get3A_1852, %get3A_1853] {strides = array<i32>} : memref<4x128xf32, #tpu.memory_space<vmem>>, vector<1x16xf32>,
    %get3A_1855 = vector.shape_cast %get3A_1854 : vector<1x16xf32> to vector<16xf32>
    %add3A_1856 = arith.addf %add3A_1840, %get3A_1855 : vector<16xf32>
    %get3A_1857 = arith.constant 3 : i32
    %get3A_1858 = arith.index_cast %get3A_1857 : i32 to index
    %get3A_1859 = arith.constant 16 : index
    %get3A_1860 = tpu.vector_load %arg7[%get3A_1858, %get3A_1859] {strides = array<i32>} : memref<4x128xf32, #tpu.memory_space<vmem>>, vector<1x16xf32>,
    %get3A_1861 = vector.shape_cast %get3A_1860 : vector<1x16xf32> to vector<16xf32>
    %add3A_1862 = arith.addf %add3A_1856, %get3A_1861 : vector<16xf32>
    %get3A_1863 = arith.constant 3 : i32
    %get3A_1864 = arith.index_cast %get3A_1863 : i32 to index
    %get3A_1865 = arith.constant 32 : index
    %get3A_1866 = tpu.vector_load %arg7[%get3A_1864, %get3A_1865] {strides = array<i32>} : memref<4x128xf32, #tpu.memory_space<vmem>>, vector<1x16xf32>,
    %get3A_1867 = vector.shape_cast %get3A_1866 : vector<1x16xf32> to vector<16xf32>
    %add3A_1868 = arith.addf %add3A_1862, %get3A_1867 : vector<16xf32>
    %get3A_1869 = arith.constant 3 : i32
    %get3A_1870 = arith.index_cast %get3A_1869 : i32 to index
    %get3A_1871 = arith.constant 48 : index
    %get3A_1872 = tpu.vector_load %arg7[%get3A_1870, %get3A_1871] {strides = array<i32>} : memref<4x128xf32, #tpu.memory_space<vmem>>, vector<1x16xf32>,
    %get3A_1873 = vector.shape_cast %get3A_1872 : vector<1x16xf32> to vector<16xf32>
    %add3A_1874 = arith.addf %add3A_1868, %get3A_1873 : vector<16xf32>
    %get3A_1875 = arith.constant 3 : i32
    %get3A_1876 = arith.index_cast %get3A_1875 : i32 to index
    %get3A_1877 = arith.constant 64 : index
    %get3A_1878 = tpu.vector_load %arg7[%get3A_1876, %get3A_1877] {strides = array<i32>} : memref<4x128xf32, #tpu.memory_space<vmem>>, vector<1x16xf32>,
    %get3A_1879 = vector.shape_cast %get3A_1878 : vector<1x16xf32> to vector<16xf32>
    %add3A_1880 = arith.addf %add3A_1874, %get3A_1879 : vector<16xf32>
    %get3A_1881 = arith.constant 3 : i32
    %get3A_1882 = arith.index_cast %get3A_1881 : i32 to index
    %get3A_1883 = arith.constant 80 : index
    %get3A_1884 = tpu.vector_load %arg7[%get3A_1882, %get3A_1883] {strides = array<i32>} : memref<4x128xf32, #tpu.memory_space<vmem>>, vector<1x16xf32>,
    %get3A_1885 = vector.shape_cast %get3A_1884 : vector<1x16xf32> to vector<16xf32>
    %add3A_1886 = arith.addf %add3A_1880, %get3A_1885 : vector<16xf32>
    %get3A_1887 = arith.constant 3 : i32
    %get3A_1888 = arith.index_cast %get3A_1887 : i32 to index
    %get3A_1889 = arith.constant 96 : index
    %get3A_1890 = tpu.vector_load %arg7[%get3A_1888, %get3A_1889] {strides = array<i32>} : memref<4x128xf32, #tpu.memory_space<vmem>>, vector<1x16xf32>,
    %get3A_1891 = vector.shape_cast %get3A_1890 : vector<1x16xf32> to vector<16xf32>
    %add3A_1892 = arith.addf %add3A_1886, %get3A_1891 : vector<16xf32>
    %get3A_1893 = arith.constant 3 : i32
    %get3A_1894 = arith.index_cast %get3A_1893 : i32 to index
    %get3A_1895 = arith.constant 112 : index
    %get3A_1896 = tpu.vector_load %arg7[%get3A_1894, %get3A_1895] {strides = array<i32>} : memref<4x128xf32, #tpu.memory_space<vmem>>, vector<1x16xf32>,
    %get3A_1897 = vector.shape_cast %get3A_1896 : vector<1x16xf32> to vector<16xf32>
    %add3A_1898 = arith.addf %add3A_1892, %get3A_1897 : vector<16xf32>
    %swap3A_1899 = arith.constant 0 : index
    %swap3A_1900 = tpu.vector_load %arg8[%swap3A_1899] {strides = array<i32>} : memref<16xf32, #tpu.memory_space<vmem>>, vector<16xf32>,
    %swap3A_1901 = vector.shape_cast %swap3A_1900 : vector<16xf32> to vector<16xf32>
    %swap3A_1902 = vector.shape_cast %add3A_1898 : vector<16xf32> to vector<16xf32>
    tpu.vector_store %arg8[%swap3A_1899], %swap3A_1902 {strides = array<i32>} : memref<16xf32, #tpu.memory_space<vmem>>, vector<16xf32>,
    "tpu.region"() ({
      %run_scoped3A = tpu.sem_alloc : memref<!tpu.dma_semaphore, #tpu.memory_space<semaphore_mem>>
      %dma_start3A_1903 = arith.constant 0 : i32
      %dma_start3A_1904 = tpu.memref_slice %arg4[%add3A, %dma_start3A_1903] : memref<32x16xf32, #tpu.memory_space<hbm>> -> memref<1x16xf32, #tpu.memory_space<hbm>>
      %dma_start3A_1905 = tpu.memref_squeeze %dma_start3A_1904 : memref<1x16xf32, #tpu.memory_space<hbm>> -> memref<16xf32, #tpu.memory_space<hbm>>
      %dma_start3A_1906 = arith.constant 0 : i32
      %dma_start3A_1907 = tpu.memref_slice %arg4[%add3A, %dma_start3A_1906] : memref<32x16xf32, #tpu.memory_space<hbm>> -> memref<1x16xf32, #tpu.memory_space<hbm>>
      %dma_start3A_1908 = tpu.memref_squeeze %dma_start3A_1907 : memref<1x16xf32, #tpu.memory_space<hbm>> -> memref<16xf32, #tpu.memory_space<hbm>>
      tpu.enqueue_dma source(%arg8 : memref<16xf32, #tpu.memory_space<vmem>>) target(%dma_start3A_1908 : memref<16xf32, #tpu.memory_space<hbm>>) target_semaphore(%run_scoped3A : memref<!tpu.dma_semaphore, #tpu.memory_space<semaphore_mem>>)
      %dma_wait3A_1909 = arith.constant 0 : i32
      %dma_wait3A_1910 = tpu.memref_slice %arg4[%add3A, %dma_wait3A_1909] : memref<32x16xf32, #tpu.memory_space<hbm>> -> memref<1x16xf32, #tpu.memory_space<hbm>>
      %dma_wait3A_1911 = tpu.memref_squeeze %dma_wait3A_1910 : memref<1x16xf32, #tpu.memory_space<hbm>> -> memref<16xf32, #tpu.memory_space<hbm>>
      %dma_wait3A_1912 = arith.constant 0 : i32
      %dma_wait3A_1913 = tpu.memref_slice %arg4[%add3A, %dma_wait3A_1912] : memref<32x16xf32, #tpu.memory_space<hbm>> -> memref<1x16xf32, #tpu.memory_space<hbm>>
      %dma_wait3A_1914 = tpu.memref_squeeze %dma_wait3A_1913 : memref<1x16xf32, #tpu.memory_space<hbm>> -> memref<16xf32, #tpu.memory_space<hbm>>
      tpu.wait_dma2 semaphore(%run_scoped3A : memref<!tpu.dma_semaphore, #tpu.memory_space<semaphore_mem>>) src(%arg8 : memref<16xf32, #tpu.memory_space<vmem>>) dst(%dma_wait3A_1914 : memref<16xf32, #tpu.memory_space<hbm>>)
      tpu.yield
    }) : () -> ()
    return
  }
}

</mosaic_0001>

<sc_bundles>
// kernel: kernel.3.cloned.1.call-start
scs
__scs_entry_jumppad:
0x0: {  	(pc) =	sbr.rel $0x88, $3  }
0x1: {  	(tag) =	ssettag $0x0;
	lr =	simm.s32 $0x1  }
0x2: {  	[smem:$0x3F9F] =	sst lr;
	_ =	strace $0xD0000000  }
0x3: {  	_ = 	snop  }
0x4: {  	_ = 	snop  }
0x5: {  	_ = 	snop  }
0x6: {  	_ = 	snop  }
0x7: {  	_ = 	snop  }
__scs_overlays_trampoline_lowered:
0x8: {  	[smem:$0x3FAE] =	sst s0  }
0x9: {  	[smem:$0x3FAF] =	sst s1  }
0xa: {  	[smem:$0x3FB0] =	sst s2  }
0xb: {  	[smem:$0x3FB1] =	sst s3  }
0xc: {  	[smem:$0x3FB2] =	sst s4  }
0xd: {  	[smem:$0x3FB3] =	sst s5  }
0xe: {  	[smem:$0x3FB4] =	sst s6  }
0xf: {  	[smem:$0x3FB5] =	sst s7  }
0x10: {  	[smem:$0x3FB6] =	sst s8  }
0x11: {  	[smem:$0x3FB7] =	sst s9;
	s0 =	simm.s32 @!p0 $0x0  }
0x12: {  	s1 =	sld [smem:$0x3F9D];
	s0 =	simm.s32 @p0 $0x1  }
0x13: {  	[smem:$0x3FB8] =	sst s0;
	s0 =	simm.s32 @!p1 $0x0  }
0x14: {  	s2 =	sld [smem:$0x3F9C];
	s0 =	simm.s32 @p1 $0x1  }
0x15: {  	[smem:$0x3FB9] =	sst s0;
	s0 =	simm.s32 @!p2 $0x0  }
0x16: {  	s3 =	sld [smem:$0x3FDB];
	s0 =	simm.s32 @p2 $0x1  }
0x17: {  	s4 =	simm.s32 $0x1BF5;
	[smem:$0x3FBB] =	sst s0  }
0x18: {  	s0 =	sld [smem:$0x3F9E];
	_ =	swait.ge [sflag:s4], $0x0  }
0x19: {  	s7 =	sld [smem:$0x3F9F]  }
0x1a: {  	s8 =	sadd.s32 $0xFFFFE003, lr  }
0x1b: {  	s9 =	sadd.s32 $0xFFFFFEF7, lr;
	s5 =	simm.s32 $0xFFFFFFFF;
	p2 =	slt.u32 s8, $0xFFFFF086  }
0x1c: {  	p1 =	slt.u32 s9, $0xF7A;
	s5 =	simm.s32 @!p2 $0x0  }
0x1d: {  	s5 =	simm.s32 @p1 $0x1;
	p0 =	seq.s32 s7, s2  }
0x1e: {  	s7 =	smul.u32 @!p0 $0xF7A, s2;
	p2 =	seq.s32 @!p0 s5, $0x0  }
0x1f: {  	s9 =	smul.u32 $0xF7A, s1;
	s8 =	simm.s32 @!p0 $0x1BF5;
	p2 =	por !p2, p0  }
0x20: {  	[sflag:s8] =	ssyncset.s32 @!p0 $0xFFFFF086;
	s6 =	sadd.s32 @!p0 s3, s7;
	s7 =	simm.s32 @!p0 $0x108  }
0x21: {  	s3 =	sadd.s32 s3, s9;
	s6 =	sadd.s32 @!p0 $0x88, s6;
	s7 =	simm.s32 @p2 $0x1082  }
0x22: {  	[simem:s7], [sflag:s8] =	dma.local @!p0 [hbm:s6], $0xF7A  }
0x23: {  	s9 =	sor.u32 $0xD0000000, s2;
	s6 =	simm.s32 $0x108;
	_ =	swait.ge @!p0 [sflag:s8], $0x0  }
0x24: {  	s3 =	sadd.s32 $0x88, s3;
	s6 =	simm.s32 @!p1 $0x1082;
	[sflag:s4] =	ssyncset.s32 $0xFFFFF086  }
0x25: {  	[simem:s6], [sflag:s4] =	dma.local [hbm:s3], $0xF7A  }
0x26: {  	[smem:$0x3F9F] =	sst s1;
	(tag) =	ssettag s2;
	_ =	strace s9  }
0x27: {  	s1 =	sld [smem:$0x3FAF]  }
0x28: {  	s2 =	sld [smem:$0x3FB0]  }
0x29: {  	s4 =	sld [smem:$0x3FB2]  }
0x2a: {  	p0 =	seq.s32 s5, $0x0;
	s5 =	sld [smem:$0x3FB3]  }
0x2b: {  	s6 =	sld [smem:$0x3FB4]  }
0x2c: {  	s7 =	sld [smem:$0x3FB5]  }
0x2d: {  	s3 =	simm.s32 $0x108;
	s8 =	sld [smem:$0x3FB6]  }
0x2e: {  	s3 =	simm.s32 @!p0 $0x1082;
	s9 =	sld [smem:$0x3FB7]  }
0x2f: {  	lr =	sadd.s32 s0, s3;
	s0 =	sld [smem:$0x3FAE]  }
0x30: {  	s3 =	sld [smem:$0x3FB1]  }
0x31: {  	[smem:$0x3FBA] =	sst s10  }
0x32: {  	s10 =	sld [smem:$0x3FB8];
	_ =	sdelay $0x3  }
0x33: {  	p0 =	seq.s32 s10, $0x1;
	s10 =	sld [smem:$0x3FBA];
	_ =	sdelay $0x3  }
0x34: {  	[smem:$0x3FBA] =	sst s10  }
0x35: {  	s10 =	sld [smem:$0x3FB9];
	_ =	sdelay $0x3  }
0x36: {  	p1 =	seq.s32 s10, $0x1;
	s10 =	sld [smem:$0x3FBA];
	_ =	sdelay $0x3  }
0x37: {  	[smem:$0x3FBA] =	sst s10  }
0x38: {  	s10 =	sld [smem:$0x3FBB]  }
0x39: {  	_ = 	snop;
	(pc) =	sbr.ind lr, $3  }
0x3a: {  	_ = 	snop  }
0x3b: {  	_ = 	snop  }
0x3c: {  	p2 =	seq.s32 s10, $0x1;
	s10 =	sld [smem:$0x3FBA]  }
0x3d: {  	_ =	shalt  }
0x3e: {  	_ =	shalt  }
0x3f: {  	_ =	shalt  }
0x40: {  	_ =	shalt  }
0x41: {  	_ =	shalt  }
0x42: {  	_ =	shalt  }
0x43: {  	_ =	shalt  }
0x44: {  	_ =	shalt  }
0x45: {  	_ =	shalt  }
0x46: {  	_ =	shalt  }
0x47: {  	_ =	shalt  }
0x48: {  	_ =	shalt  }
0x49: {  	_ =	shalt  }
0x4a: {  	_ =	shalt  }
0x4b: {  	_ =	shalt  }
0x4c: {  	_ =	shalt  }
0x4d: {  	_ =	shalt  }
0x4e: {  	_ =	shalt  }
0x4f: {  	_ =	shalt  }
0x50: {  	_ =	shalt  }
0x51: {  	_ =	shalt  }
0x52: {  	_ =	shalt  }
0x53: {  	_ =	shalt  }
0x54: {  	_ =	shalt  }
0x55: {  	_ =	shalt  }
0x56: {  	_ =	shalt  }
0x57: {  	_ =	shalt  }
0x58: {  	_ =	shalt  }
0x59: {  	_ =	shalt  }
0x5a: {  	_ =	shalt  }
0x5b: {  	_ =	shalt  }
0x5c: {  	_ =	shalt  }
0x5d: {  	_ =	shalt  }
0x5e: {  	_ =	shalt  }
0x5f: {  	_ =	shalt  }
0x60: {  	_ =	shalt  }
0x61: {  	_ =	shalt  }
0x62: {  	_ =	shalt  }
0x63: {  	_ =	shalt  }
0x64: {  	_ =	shalt  }
0x65: {  	_ =	shalt  }
0x66: {  	_ =	shalt  }
0x67: {  	_ =	shalt  }
0x68: {  	_ =	shalt  }
0x69: {  	_ =	shalt  }
0x6a: {  	_ =	shalt  }
0x6b: {  	_ =	shalt  }
0x6c: {  	_ =	shalt  }
0x6d: {  	_ =	shalt  }
0x6e: {  	_ =	shalt  }
0x6f: {  	_ =	shalt  }
0x70: {  	_ =	shalt  }
0x71: {  	_ =	shalt  }
0x72: {  	_ =	shalt  }
0x73: {  	_ =	shalt  }
0x74: {  	_ =	shalt  }
0x75: {  	_ =	shalt  }
0x76: {  	_ =	shalt  }
0x77: {  	_ =	shalt  }
0x78: {  	_ =	shalt  }
0x79: {  	_ =	shalt  }
0x7a: {  	_ =	shalt  }
0x7b: {  	_ =	shalt  }
0x7c: {  	_ =	shalt  }
0x7d: {  	_ =	shalt  }
0x7e: {  	_ =	shalt  }
0x7f: {  	_ =	shalt  }
0x80: {  	_ =	shalt  }
0x81: {  	_ =	shalt  }
0x82: {  	_ =	shalt  }
0x83: {  	_ =	shalt  }
0x84: {  	_ =	shalt  }
0x85: {  	_ =	shalt  }
0x86: {  	_ =	shalt  }
0x87: {  	_ =	shalt  }
.Lfunc_end0:
.L_simem_size_0:
called_computation_lowered:
.L_overlay_start_0:
0x88: {  	s2 =	sld [smem:$0x3FD9]  }
0x89: {  	s3 =	sld [smem:$0x3FFE];
	_ =	sdelay $0x1  }
0x8a: {  	s1 =	srdreg.scid  }
0x8b: {  	s0 =	sand.u32 $0x1, s1  }
0x8c: {  	s17 =	sshll.u32 s0, $0xA;
	s2 =	sadd.s32 s3, s2  }
0x8d: {  	s2 =	sadd.s32 s2, s17  }
0x8e: {  	[smem:$0x3FC6] =	sst s2  }
0x8f: {  	_ = 	snop  }
0x90: {  	s2 =	sld [smem:$0x3FC9]  }
0x91: {  	s18 =	sld [smem:$0x3FC8];
	(tm) =	ssettm $0x1  }
0x92: {  	s4 =	sld [smem:$0x3FFB];
	_ =	sdelay $0x3  }
0x93: {  	_ =	strace s4  }
0x94: {  	s4 =	sld [smem:$0x3FFC];
	_ =	sdelay $0x3  }
0x95: {  	_ =	strace s4  }
0x96: {  	s4 =	sld [smem:$0x3FFD];
	_ =	sdelay $0x3  }
0x97: {  	_ =	strace s4  }
0x98: {  	_ =	strace $0x8FFFFFFF  }
0x99: {  	s19 =	sld [smem:$0x3FDB];
	_ =	sdelay $0x1  }
0x9a: {  	s5 =	simm.s32 $_scs_section_size  }
0x9b: {  	s6 =	simm.s32 $_size__tile_overlayer_lowered;
	s7 =	simm.s32 $_tile_overlayer_lowered  }
0x9c: {  	s22 =	simm.s32 $0x1BFF;
	s21 =	sshll.u32 s7, $0x1;
	s4 =	sadd.s32 s5, s19  }
0x9d: {  	s8 =	simm.s32 $0x0;
	s20 =	sshll.u32 s6, $0x1;
	s6 =	sadd.s32 s21, s4  }
0x9e: {  	[timem:s8], [sflag:s22] =	dma.local [hbm:s6], s20  }
0x9f: {  	_ =	swait.ge [sflag:s22], s20  }
0xa0: {  	s5 =	ssub.s32 $0x0, s20;
	[sflag:s22] =	ssyncset.done $0x0  }
0xa1: {  	[sflag:s22] =	ssyncadd.s32 s5;
	_ =	sdelay $0x1  }
0xa2: {  	s23 =	simm.s32 $0x1B8B  }
0xa3: {  	_ =	swait.ge [sflag:s23], $0x1  }
0xa4: {  	[sflag:s23] =	ssyncset.done $0x0  }
0xa5: {  	s25 =	simm.s32 $0x1B8E;
	s24 =	sld [smem:$0x3FFE];
	[sflag:s23] =	ssyncadd.s32 $0xFFFFFFFF  }
0xa6: {  	s26 =	simm.s32 $execute0_lowered;
	[smem:$0x3FD2] =	sst s25  }
0xa7: {  	s6 =	sshll.u32 s26, $0x1;
	_ =	strace $0x80000046;
	[dreg:$0x1] =	wrdreg $0xFFFFFFFF  }
0xa8: {  	s28 =	simm.s32 $_size_execute0_lowered;
	s4 =	sadd.s32 s4, s6;
	[dreg:$0x0] =	wrdreg $0x0  }
0xa9: {  	s6 =	sshll.u32 s28, $0x1;
	[dreg:$0x2] =	wrdreg s4  }
0xaa: {  	[dreg:$0x3] =	wrdreg s6  }
0xab: {  	[dreg:$0x4] =	wrdreg $0xC0  }
0xac: {  	_ =	task [dreg:s8], $0x5FFFF  }
0xad: {  	[dreg:$0x1] =	wrdreg $0xFFFFFFFF  }
0xae: {  	[dreg:$0x0] =	wrdreg $0x60  }
0xaf: {  	[dreg:$0x2] =	wrdreg s2  }
0xb0: {  	[dreg:$0x3] =	wrdreg s18  }
0xb1: {  	[dreg:$0x4] =	wrdreg s24  }
0xb2: {  	[dreg:$0x5] =	wrdreg $0x9  }
0xb3: {  	_ =	task.clear_ibuf [dreg:s8], $0x6FFFF;
	_ =	strace $0x90000046  }
0xb4: {  	s29 =	simm.s32 $0x9;
	_ =	strace $0x80000048  }
0xb5: {  	_ =	swait.ge [sflag:s29], $0x1  }
0xb6: {  	[sflag:s29] =	ssyncadd.s32 $0xFFFFFFFF  }
0xb7: {  	_ =	strace $0x90000048  }
0xb8: {  	_ =	sfence  }
0xb9: {  	s30 =	sld [smem:$0x0];
	_ =	sdelay $0x2  }
0xba: {  	s31 =	sshll.u32 s1, $0xD;
	s1 =	sshrl.u32 s1, $0x2  }
0xbb: {  	s3 =	sand.u32 $0x4000, s31;
	s1 =	sadd.s32 s1, s30  }
0xbc: {  	s0 =	sor.u32 s3, s0;
	s1 =	sshll.u32 s1, $0x11  }
0xbd: {  	s0 =	sor.u32 s1, s0  }
0xbe: {  	s0 =	sadd.s32 $0x8F2B, s0  }
0xbf: {  	[sflag:s0] =	ssyncadd.remote.s32 $0x1  }
0xc0: {  	_ =	sfence.sel $0xFFFF  }
0xc1: {  	[dreg:$0x0] =	wrdreg $0xFFFFFFFF;
	(pc) =	sbr.abs _section_cstart, $3  }
0xc2: {  	[dreg:$0x1] =	wrdreg $0xFFFFFFFF  }
0xc3: {  	_ =	task.clear_ibuf [dreg:s8], $0x2FFFF;
	_ =	strace $0x9FFFFFFF  }
0xc4: {  	(tm) =	ssettm $0x7FFFFFFF  }
0xc5: {  	_ =	shalt  }
tec
execute0_lowered:
.L_overlay_start_1:
0x0: {  	(tag) =	ssettag $0x1  }
0x1: {  	s1 =	srdreg.scid;
	s0 =	stileid.u32  }
0x2: {  	s5 =	sand.u32 $0x1, s1;
	s28 =	sshll.u32 s0, $0x1  }
0x3: {  	s4 =	sor.u32 s5, s28  }
0x4: {  	v31 =	vlaneseq.u32;
	s1 =	sshll.u32 s4, $0x9  }
0x5: {  	v3 =	vor.u32 s1, v31;
	s2 =	sor.u32 $0x10, s1  }
0x6: {  	s3 =	sor.u32 $0x20, s1;
	s29 =	sor.u32 $0x30, s1;
	s6 =	sor.u32 $0x70, s1;
	v0 =	vmul.u32 $0x10625, v3;
	v4 =	vor.u32 s2, v31  }
0x7: {  	s8 =	sor.u32 $0x90, s1;
	s13 =	sor.u32 $0xE0, s1;
	s14 =	sor.u32 $0xF0, s1;
	v5 =	vor.u32 s3, v31;
	v7 =	vor.u32 s29, v31;
	v11 =	vor.u32 s6, v31  }
0x8: {  	s20 =	sor.u32 $0x150, s1;
	v18 =	vor.u32 s8, v31;
	v19 =	vor.u32 s13, v31;
	v23 =	vor.u32 s14, v31  }
0x9: {  	v33 =	vor.u32 s20, v31;
	v1 =	vmul.u32 $0x10625, v4;
	v2 =	vmul.u32 $0x10625, v5  }
0xa: {  	v10 =	vmul.u32 $0x10625, v7;
	v12 =	vmul.u32 $0x10625, v11;
	v0 =	vshrl.u32 v0, $0x1A  }
0xb: {  	s3 =	sor.u32 $0x60, s1;
	v26 =	vmul.u32 $0x10625, v23;
	v6 =	vmul.u32 $0x3FC18, v0;
	v53 =	vshrl.u32 v1, $0x1A  }
0xc: {  	s7 =	sor.u32 $0x80, s1;
	v54 =	vshrl.u32 v2, $0x1A;
	v55 =	vshrl.u32 v10, $0x1A;
	v10 =	vor.u32 s3, v31  }
0xd: {  	v63 =	vshrl.u32 v12, $0x1A;
	v12 =	vor.u32 s7, v31;
	v8 =	vmul.u32 $0x3FC18, v53  }
0xe: {  	s30 =	sor.u32 $0x40, s1;
	s31 =	sor.u32 $0x50, s1;
	s9 =	sor.u32 $0xA0, s1;
	v9 =	vmul.u32 $0x3FC18, v54;
	v56 =	vmul.u32 $0x3FC18, v55;
	v59 =	vmul.u32 $0x10625, v10  }
0xf: {  	s10 =	sor.u32 $0xB0, s1;
	s11 =	sor.u32 $0xC0, s1;
	s12 =	sor.u32 $0xD0, s1;
	v16 =	vmul.u32 $0x3FC18, v63;
	v17 =	vmul.u32 $0x10625, v12;
	v30 =	vadd.s32 v3, v6  }
0x10: {  	s15 =	sor.u32 $0x100, s1;
	s16 =	sor.u32 $0x110, s1;
	s17 =	sor.u32 $0x120, s1;
	v32 =	vadd.s32 v4, v8;
	v34 =	vadd.s32 v5, v9;
	v8 =	vor.u32 s30, v31  }
0x11: {  	s18 =	sor.u32 $0x130, s1;
	s19 =	sor.u32 $0x140, s1;
	s21 =	sor.u32 $0x160, s1;
	v9 =	vor.u32 s31, v31;
	v35 =	vadd.s32 v7, v56;
	v62 =	vshrl.u32 v59, $0x1A  }
0x12: {  	s22 =	sor.u32 $0x170, s1;
	s24 =	sor.u32 $0x190, s1;
	s25 =	sor.u32 $0x1A0, s1;
	v39 =	vadd.s32 v11, v16;
	v4 =	vshrl.u32 v17, $0x1A;
	v16 =	vor.u32 s10, v31  }
0x13: {  	s23 =	sor.u32 $0x180, s1;
	s26 =	sor.u32 $0x1B0, s1;
	s28 =	sor.u32 $0x1C0, s1;
	v17 =	vor.u32 s11, v31;
	v7 =	vor.u32 s24, v31;
	v56 =	vor.u32 s25, v31  }
0x14: {  	s29 =	sor.u32 $0x1D0, s1;
	v59 =	vor.u32 s28, v31;
	s30 =	sor.u32 $0x1E0, s1;
	s1 =	sor.u32 $0x1F0, s1;
	v57 =	vmul.u32 $0x10625, v8;
	v58 =	vmul.u32 $0x10625, v9  }
0x15: {  	v15 =	vmul.u32 $0x3FC18, v62;
	v2 =	vor.u32 s1, v31;
	v32 =	vshll.u32 v32, $0xE  }
0x16: {  	v34 =	vshll.u32 v34, $0xE;
	v35 =	vshll.u32 v35, $0xE;
	v39 =	vshll.u32 v39, $0xE  }
0x17: {  	v34 =	vand.u32 $0xFFFE0000, v34;
	v35 =	vand.u32 $0xFFFE0000, v35;
	v39 =	vand.u32 $0xFFFE0000, v39  }
0x18: {  	v60 =	vshrl.u32 v57, $0x1A;
	v61 =	vshrl.u32 v58, $0x1A;
	v38 =	vadd.s32 v10, v15  }
0x19: {  	v10 =	vmul.u32 $0x3FC18, v4;
	v15 =	vor.u32 s9, v31;
	[tilespmem:$0x1FF90] =	vst v60;
	v13 =	vmul.u32 $0x3FC18, v60  }
0x1a: {  	[tilespmem:$0x1FFA0] =	vst v61;
	v14 =	vmul.u32 $0x3FC18, v61;
	v60 =	vmul.u32 $0x10625, v59;
	v61 =	vor.u32 s29, v31  }
0x1b: {  	v38 =	vshll.u32 v38, $0xE;
	v40 =	vadd.s32 v12, v10;
	v12 =	vmul.u32 $0x10625, v16  }
0x1c: {  	[tilespmem:$0x1FFD0] =	vst v4;
	v4 =	vmul.u32 $0x10625, v61;
	v38 =	vand.u32 $0xFFFE0000, v38;
	v36 =	vadd.s32 v8, v13  }
0x1d: {  	v37 =	vadd.s32 v9, v14;
	v9 =	vmul.u32 $0x10625, v18;
	v13 =	vmul.u32 $0x10625, v15  }
0x1e: {  	v14 =	vmul.u32 $0x10625, v19;
	v40 =	vshll.u32 v40, $0xE;
	v36 =	vshll.u32 v36, $0xE  }
0x1f: {  	v37 =	vshll.u32 v37, $0xE;
	v40 =	vand.u32 $0xFFFE0000, v40;
	v5 =	vshrl.u32 v9, $0x1A  }
0x20: {  	v6 =	vshrl.u32 v13, $0x1A;
	v13 =	vmul.u32 $0x10625, v17;
	v11 =	vmul.u32 $0x3FC18, v5  }
0x21: {  	v14 =	vshrl.u32 v14, $0x1A;
	v36 =	vand.u32 $0xFFFE0000, v36;
	v37 =	vand.u32 $0xFFFE0000, v37  }
0x22: {  	v20 =	vmul.u32 $0x3FC18, v6;
	v25 =	vmul.u32 $0x3FC18, v14;
	v41 =	vadd.s32 v18, v11  }
0x23: {  	v11 =	vshrl.u32 v12, $0x1A;
	v18 =	vor.u32 s12, v31;
	v12 =	vshrl.u32 v13, $0x1A  }
0x24: {  	v42 =	vadd.s32 v15, v20;
	v46 =	vadd.s32 v19, v25;
	v15 =	vshrl.u32 v26, $0x1A  }
0x25: {  	v20 =	vor.u32 s15, v31;
	v13 =	vmul.u32 $0x10625, v18;
	v21 =	vmul.u32 $0x3FC18, v11  }
0x26: {  	v22 =	vmul.u32 $0x3FC18, v12;
	v41 =	vshll.u32 v41, $0xE;
	v42 =	vshll.u32 v42, $0xE  }
0x27: {  	v46 =	vshll.u32 v46, $0xE;
	v41 =	vand.u32 $0xFFFE0000, v41;
	v42 =	vand.u32 $0xFFFE0000, v42  }
0x28: {  	v46 =	vand.u32 $0xFFFE0000, v46;
	v13 =	vshrl.u32 v13, $0x1A;
	v43 =	vadd.s32 v16, v21  }
0x29: {  	v44 =	vadd.s32 v17, v22;
	v16 =	vmul.u32 $0x3FC18, v15;
	v21 =	vor.u32 s16, v31  }
0x2a: {  	v17 =	vmul.u32 $0x10625, v20;
	v22 =	vor.u32 s17, v31;
	v24 =	vmul.u32 $0x3FC18, v13  }
0x2b: {  	v19 =	vmul.u32 $0x10625, v22;
	v43 =	vshll.u32 v43, $0xE;
	v44 =	vshll.u32 v44, $0xE  }
0x2c: {  	v47 =	vadd.s32 v23, v16;
	v23 =	vor.u32 s18, v31;
	v16 =	vshrl.u32 v17, $0x1A  }
0x2d: {  	v43 =	vand.u32 $0xFFFE0000, v43;
	v44 =	vand.u32 $0xFFFE0000, v44;
	v45 =	vadd.s32 v18, v24  }
0x2e: {  	v18 =	vmul.u32 $0x10625, v21;
	v24 =	vmul.u32 $0x10625, v23;
	v47 =	vshll.u32 v47, $0xE  }
0x2f: {  	v25 =	vmul.u32 $0x3FC18, v16;
	v45 =	vshll.u32 v45, $0xE;
	v47 =	vand.u32 $0xFFFE0000, v47  }
0x30: {  	v17 =	vshrl.u32 v18, $0x1A;
	v18 =	vshrl.u32 v19, $0x1A;
	v19 =	vshrl.u32 v24, $0x1A  }
0x31: {  	v24 =	vor.u32 s19, v31;
	v48 =	vadd.s32 v20, v25;
	v25 =	vor.u32 s21, v31  }
0x32: {  	v45 =	vand.u32 $0xFFFE0000, v45;
	v26 =	vmul.u32 $0x3FC18, v17;
	v27 =	vmul.u32 $0x3FC18, v18  }
0x33: {  	v28 =	vmul.u32 $0x3FC18, v19;
	v29 =	vmul.u32 $0x10625, v24;
	v48 =	vshll.u32 v48, $0xE  }
0x34: {  	v48 =	vand.u32 $0xFFFE0000, v48;
	v49 =	vadd.s32 v21, v26;
	v21 =	vmul.u32 $0x10625, v33  }
0x35: {  	v50 =	vadd.s32 v22, v27;
	v51 =	vadd.s32 v23, v28;
	v20 =	vshrl.u32 v29, $0x1A  }
0x36: {  	v26 =	vmul.u32 $0x10625, v25;
	v27 =	vor.u32 s22, v31;
	v28 =	vor.u32 s23, v31  }
0x37: {  	v22 =	vmul.u32 $0x3FC18, v20;
	v49 =	vshll.u32 v49, $0xE;
	v50 =	vshll.u32 v50, $0xE  }
0x38: {  	v51 =	vshll.u32 v51, $0xE;
	v21 =	vshrl.u32 v21, $0x1A;
	v49 =	vand.u32 $0xFFFE0000, v49  }
0x39: {  	v50 =	vand.u32 $0xFFFE0000, v50;
	v23 =	vmul.u32 $0x3FC18, v21;
	v52 =	vadd.s32 v24, v22  }
0x3a: {  	v24 =	vmul.u32 $0x10625, v27;
	v22 =	vshrl.u32 v26, $0x1A;
	v26 =	vmul.u32 $0x10625, v28  }
0x3b: {  	v51 =	vand.u32 $0xFFFE0000, v51;
	v29 =	vmul.u32 $0x3FC18, v22;
	v52 =	vshll.u32 v52, $0xE  }
0x3c: {  	[tilespmem:$0x1FF60] =	vst v53;
	v53 =	vadd.s32 v33, v23;
	v23 =	vshrl.u32 v24, $0x1A;
	v24 =	vshrl.u32 v26, $0x1A  }
0x3d: {  	[tilespmem:$0x1FF70] =	vst v54;
	v26 =	vmul.u32 $0x10625, v7;
	v33 =	vor.u32 s30, v31;
	v52 =	vand.u32 $0xFFFE0000, v52  }
0x3e: {  	[tilespmem:$0x1FF80] =	vst v55;
	v54 =	vmul.u32 $0x3FC18, v23;
	v55 =	vadd.s32 v25, v29;
	v29 =	vmul.u32 $0x3FC18, v24  }
0x3f: {  	v53 =	vshll.u32 v53, $0xE;
	v25 =	vshrl.u32 v26, $0x1A;
	v26 =	vmul.u32 $0x10625, v56  }
0x40: {  	v3 =	vadd.s32 v27, v54;
	v27 =	vmul.u32 $0x3FC18, v25;
	v54 =	vor.u32 s26, v31  }
0x41: {  	v57 =	vadd.s32 v28, v29;
	v26 =	vshrl.u32 v26, $0x1A;
	v28 =	vmul.u32 $0x10625, v54  }
0x42: {  	[tilespmem:$0x1FFB0] =	vst v62;
	v53 =	vand.u32 $0xFFFE0000, v53;
	v29 =	vmul.u32 $0x3FC18, v26;
	v62 =	vadd.s32 v7, v27  }
0x43: {  	[tilespmem:$0x1FFC0] =	vst v63;
	v7 =	vmul.u32 $0x10625, v33;
	v27 =	vshrl.u32 v28, $0x1A;
	v28 =	vshrl.u32 v60, $0x1A  }
0x44: {  	[tilespmem:$0x1FFE0] =	vst v5;
	v63 =	vadd.s32 v56, v29;
	v5 =	vmul.u32 $0x3FC18, v27;
	v60 =	vmul.u32 $0x3FC18, v28  }
0x45: {  	v29 =	vshrl.u32 v4, $0x1A;
	v4 =	vshll.u32 v30, $0xE;
	v30 =	vshrl.u32 v7, $0x1A  }
0x46: {  	[tilespmem:$0x1FFF0] =	vst v6;
	v6 =	vmul.u32 $0x3FC18, v29;
	v4 =	vand.u32 $0xFFFE0000, v4;
	v58 =	vadd.s32 v54, v5  }
0x47: {  	v59 =	vadd.s32 v59, v60;
	v60 =	vmul.u32 $0x10625, v2;
	v5 =	vand.u32 $0x7, v31  }
0x48: {  	[tilespmem:$0x1FF50] =	vst v0;
	v0 =	vadd.s32 v61, v6;
	v6 =	vmul.u32 $0x3FC18, v30;
	v1 =	vmul.u32 $0x80, v5  }
0x49: {  	v5 =	vand.u32 $0xFFFE0000, v32;
	v58 =	vshll.u32 v58, $0xE;
	v59 =	vshll.u32 v59, $0xE  }
0x4a: {  	v31 =	vshrl.u32 v60, $0x1A;
	v60 =	vshll.u32 v57, $0xE;
	v0 =	vshll.u32 v0, $0xE  }
0x4b: {  	v7 =	vmul.u32 $0x3FC18, v31;
	v61 =	vadd.s32 v33, v6;
	v32 =	vor.u32 v1, v4  }
0x4c: {  	v33 =	vor.u32 v1, v5;
	v34 =	vor.u32 v1, v34;
	v35 =	vor.u32 v1, v35  }
0x4d: {  	v36 =	vor.u32 v1, v36;
	v37 =	vor.u32 v1, v37;
	v38 =	vor.u32 v1, v38  }
0x4e: {  	v39 =	vor.u32 v1, v39;
	v40 =	vor.u32 v1, v40;
	v41 =	vor.u32 v1, v41  }
0x4f: {  	v42 =	vor.u32 v1, v42;
	v43 =	vor.u32 v1, v43;
	v44 =	vor.u32 v1, v44  }
0x50: {  	v45 =	vor.u32 v1, v45;
	v46 =	vor.u32 v1, v46;
	v47 =	vor.u32 v1, v47  }
0x51: {  	v48 =	vor.u32 v1, v48;
	v49 =	vor.u32 v1, v49;
	v50 =	vor.u32 v1, v50  }
0x52: {  	s6 =	rddreg [dreg:$0x1];
	v51 =	vor.u32 v1, v51;
	v6 =	vshll.u32 v55, $0xE;
	v52 =	vor.u32 v1, v52  }
0x53: {  	s5 =	ssub.s32 $0x2, s5;
	s2 =	rddreg [dreg:$0x3];
	v53 =	vor.u32 v1, v53;
	v56 =	vand.u32 $0xFFFE0000, v60;
	v4 =	vshll.u32 v63, $0xE  }
0x54: {  	s8 =	sshrl.u32 s5, $0x1;
	s13 =	simm.s32 $0x300;
	s14 =	simm.s32 $0x500;
	v5 =	vand.u32 $0xFFFE0000, v58;
	v0 =	vand.u32 $0xFFFE0000, v0;
	v54 =	vand.u32 $0xFFFE0000, v6  }
0x55: {  	s8 =	ssub.s32 s5, s8;
	s7 =	rddreg [dreg:$0x2];
	s3 =	simm.s32 $0x0;
	v56 =	vor.u32 v1, v56;
	v60 =	vand.u32 $0xFFFE0000, v4;
	v6 =	vand.u32 $0xFFFE0000, v59  }
0x56: {  	[smem:$0x7FF] =	sst s3;
	s31 =	sshll.u32 s4, $0x6;
	s10 =	simm.s32 $0x400;
	v59 =	vor.u32 v1, v5;
	v61 =	vshll.u32 v61, $0xE;
	v2 =	vadd.s32 v2, v7  }
0x57: {  	s11 =	simm.s32 $0x280;
	s1 =	rddreg [dreg:$0x0];
	s9 =	sshll.u32 s4, $0x4;
	v54 =	vor.u32 v1, v54;
	v7 =	vshll.u32 v3, $0xE;
	v3 =	vshll.u32 v62, $0xE  }
0x58: {  	s4 =	sadd.s32 s6, s31;
	s6 =	smax.u32 s8, $0x1;
	s8 =	simm.s32 $0x80;
	v58 =	vor.u32 v1, v60;
	v60 =	vor.u32 v1, v6;
	v55 =	vand.u32 $0xFFFE0000, v7  }
0x59: {  	s5 =	sadd.s32 s7, s9;
	s7 =	simm.s32 $0x2;
	s9 =	simm.s32 $0x200;
	v57 =	vand.u32 $0xFFFE0000, v3;
	v2 =	vshll.u32 v2, $0xE;
	v7 =	vand.u32 $0xFFFE0000, v61  }
0x5a: {  	_ =	strace $0x80000047;
	s12 =	simm.s32 $0x480;
	s15 =	simm.s32 $0x380;
	v61 =	vor.u32 v1, v0;
	v55 =	vor.u32 v1, v55;
	v2 =	vand.u32 $0xFFFE0000, v2  }
0x5b: {  	s16 =	simm.s32 $0x580;
	s17 =	simm.s32 $0x1;
	s18 =	simm.s32 $0x600;
	v57 =	vor.u32 v1, v57;
	v62 =	vor.u32 v1, v7;
	v63 =	vor.u32 v1, v2  }
.LBB2_1:
0x5c: {  	[tilespmem:s3], [sflag:$0x2] =	stream.linear.gather [hbm4b:s4+s3], $0x200, $0x38;
	[tilespmem:$0x680] =	vst v63  }
0x5d: {  	_ =	swait.ge [sflag:s7], $0x200  }
0x5e: {  	[sflag:s7] =	ssyncset.done $0x0;
	v3 =	vld [tilespmem:$0x1FF50]  }
0x5f: {  	v5 =	vld [tilespmem:$0x1FF60];
	[sflag:s7] =	ssyncadd.s32 $0xFFFFFE00  }
0x60: {  	v0 =	vld [tilespmem:$0x0]  }
0x61: {  	v1 =	vld [tilespmem:$0x10];
	_ =	sdelay $0x3  }
0x62: {  	v0 =	vadd.s32 v3, v0  }
0x63: {  	v1 =	vadd.s32 v5, v1;
	v4 =	vshll.u32 v0, $0x3  }
0x64: {  	v8 =	vld [tilespmem:$0x1FF80];
	v5 =	vshll.u32 v1, $0x3;
	v4 =	vand.u32 $0xFFFFFC00, v4  }
0x65: {  	v2 =	vld [tilespmem:$0x20];
	v0 =	vand.u32 $0x7F, v0;
	v5 =	vand.u32 $0xFFFFFC00, v5;
	v4 =	vadd.s32 v32, v4  }
0x66: {  	v0 =	vor.u32 v0, v4;
	v4 =	vadd.s32 v33, v5;
	v5 =	vld [tilespmem:$0x1FF70]  }
0x67: {  	v3 =	vld [tilespmem:$0x30];
	_ =	sdelay $0x3  }
0x68: {  	v2 =	vadd.s32 v5, v2  }
0x69: {  	v1 =	vand.u32 $0x7F, v1;
	v3 =	vadd.s32 v8, v3;
	v7 =	vshll.u32 v2, $0x3  }
0x6a: {  	v1 =	vor.u32 v1, v4;
	v4 =	vand.u32 $0xFFFFFC00, v7;
	v7 =	vshll.u32 v3, $0x3  }
0x6b: {  	v6 =	vld [tilespmem:$0x40];
	v2 =	vand.u32 $0x7F, v2;
	v4 =	vadd.s32 v34, v4;
	v7 =	vand.u32 $0xFFFFFC00, v7  }
0x6c: {  	v2 =	vor.u32 v2, v4;
	v4 =	vadd.s32 v35, v7;
	v7 =	vld [tilespmem:$0x1FF90]  }
0x6d: {  	v10 =	vld [tilespmem:$0x1FFA0]  }
0x6e: {  	v5 =	vld [tilespmem:$0x50];
	_ =	sdelay $0x2  }
0x6f: {  	v6 =	vadd.s32 v7, v6  }
0x70: {  	v3 =	vand.u32 $0x7F, v3;
	v9 =	vshll.u32 v6, $0x3  }
0x71: {  	v8 =	vld [tilespmem:$0x60];
	v5 =	vadd.s32 v10, v5;
	v3 =	vor.u32 v3, v4;
	v4 =	vand.u32 $0xFFFFFC00, v9  }
0x72: {  	[tilespmem:$0x200] =	vst v0;
	v7 =	vld [tilespmem:$0x70];
	v9 =	vshll.u32 v5, $0x3;
	v0 =	vadd.s32 v36, v4;
	v4 =	vand.u32 $0x7F, v6  }
0x73: {  	v6 =	vand.u32 $0xFFFFFC00, v9;
	v0 =	vor.u32 v4, v0;
	v4 =	vld [tilespmem:$0x1FFB0]  }
0x74: {  	[tilespmem:$0x210] =	vst v1;
	v1 =	vadd.s32 v37, v6;
	v6 =	vld [tilespmem:$0x1FFC0];
	_ =	sdelay $0x3  }
0x75: {  	v4 =	vadd.s32 v4, v8  }
0x76: {  	[tilespmem:$0x220] =	vst v2;
	v2 =	vand.u32 $0x7F, v5;
	v6 =	vadd.s32 v6, v7;
	v5 =	vshll.u32 v4, $0x3  }
0x77: {  	[tilespmem:$0x230] =	vst v3;
	v1 =	vor.u32 v2, v1;
	v3 =	vshll.u32 v6, $0x3;
	v7 =	vand.u32 $0xFFFFFC00, v5  }
0x78: {  	[tilespmem:$0x240] =	vst v0;
	v3 =	vand.u32 $0xFFFFFC00, v3;
	v0 =	vadd.s32 v38, v7;
	v7 =	vand.u32 $0x7F, v4  }
0x79: {  	[tilespmem:$0x250] =	vst v1;
	v5 =	vand.u32 $0x7F, v6;
	v4 =	vadd.s32 v39, v3;
	v0 =	vor.u32 v7, v0  }
0x7a: {  	v6 =	vor.u32 v5, v4;
	[tilespmem:$0x260] =	vst v0  }
0x7b: {  	v5 =	vld [tilespmem:$0x1FFE0];
	[tilespmem:$0x270] =	vst v6  }
0x7c: {  	v6 =	vld [tilespmem:$0x1FFD0];
	[tilespmem:s10], [sflag:$0x1] =	stream.indirect.gather [hbm4b:s1+s8], $0x1, s9, s8, $0xb8  }
0x7d: {  	v7 =	vld [tilespmem:$0x80]  }
0x7e: {  	v1 =	vld [tilespmem:$0x90];
	_ =	sdelay $0x3  }
0x7f: {  	v0 =	vadd.s32 v6, v7  }
0x80: {  	v1 =	vadd.s32 v5, v1;
	v4 =	vshll.u32 v0, $0x3  }
0x81: {  	v5 =	vshll.u32 v1, $0x3;
	v4 =	vand.u32 $0xFFFFFC00, v4  }
0x82: {  	v2 =	vld [tilespmem:$0xA0];
	v0 =	vand.u32 $0x7F, v0;
	v5 =	vand.u32 $0xFFFFFC00, v5;
	v4 =	vadd.s32 v40, v4  }
0x83: {  	v0 =	vor.u32 v0, v4;
	v4 =	vadd.s32 v41, v5;
	v5 =	vld [tilespmem:$0x1FFF0]  }
0x84: {  	v3 =	vld [tilespmem:$0xB0];
	_ =	sdelay $0x2  }
0x85: {  	v6 =	vld [tilespmem:$0xC0]  }
0x86: {  	v2 =	vadd.s32 v5, v2;
	v5 =	vld [tilespmem:$0xD0]  }
0x87: {  	v3 =	vadd.s32 v11, v3;
	v1 =	vand.u32 $0x7F, v1;
	v7 =	vshll.u32 v2, $0x3  }
0x88: {  	v1 =	vor.u32 v1, v4;
	v4 =	vand.u32 $0xFFFFFC00, v7;
	v7 =	vshll.u32 v3, $0x3  }
0x89: {  	v8 =	vld [tilespmem:$0xE0];
	v2 =	vand.u32 $0x7F, v2;
	v4 =	vadd.s32 v42, v4;
	v7 =	vand.u32 $0xFFFFFC00, v7  }
0x8a: {  	v6 =	vadd.s32 v12, v6;
	v2 =	vor.u32 v2, v4;
	v4 =	vadd.s32 v43, v7;
	v7 =	vld [tilespmem:$0xF0]  }
0x8b: {  	v9 =	vshll.u32 v6, $0x3;
	v3 =	vand.u32 $0x7F, v3;
	v5 =	vadd.s32 v13, v5  }
0x8c: {  	[tilespmem:$0x280] =	vst v0;
	v3 =	vor.u32 v3, v4;
	v4 =	vand.u32 $0xFFFFFC00, v9;
	v9 =	vshll.u32 v5, $0x3  }
0x8d: {  	[tilespmem:$0x2A0] =	vst v2;
	v0 =	vadd.s32 v44, v4;
	v4 =	vand.u32 $0x7F, v6;
	v2 =	vand.u32 $0x7F, v5  }
0x8e: {  	v6 =	vand.u32 $0xFFFFFC00, v9;
	v0 =	vor.u32 v4, v0;
	v4 =	vadd.s32 v14, v8  }
0x8f: {  	[tilespmem:$0x290] =	vst v1;
	v1 =	vadd.s32 v45, v6;
	v5 =	vshll.u32 v4, $0x3;
	v6 =	vadd.s32 v15, v7  }
0x90: {  	[tilespmem:$0x2B0] =	vst v3;
	v1 =	vor.u32 v2, v1;
	v7 =	vand.u32 $0xFFFFFC00, v5;
	v3 =	vshll.u32 v6, $0x3  }
0x91: {  	[tilespmem:$0x2C0] =	vst v0;
	v0 =	vadd.s32 v46, v7;
	v7 =	vand.u32 $0x7F, v4;
	v3 =	vand.u32 $0xFFFFFC00, v3  }
0x92: {  	[tilespmem:$0x2D0] =	vst v1;
	v4 =	vand.u32 $0x7F, v6;
	v0 =	vor.u32 v7, v0;
	v7 =	vadd.s32 v47, v3  }
0x93: {  	[tilespmem:$0x2E0] =	vst v0;
	v5 =	vor.u32 v4, v7  }
0x94: {  	[tilespmem:$0x2F0] =	vst v5  }
0x95: {  	[tilespmem:s12], [sflag:$0x1] =	stream.indirect.gather [hbm4b:s1+s8], $0x1, s11, s8, $0xb8;
	[tilespmem:$0x680] =	vst v63  }
0x96: {  	v6 =	vld [tilespmem:$0x100]  }
0x97: {  	v1 =	vld [tilespmem:$0x110]  }
0x98: {  	v2 =	vld [tilespmem:$0x120]  }
0x99: {  	v3 =	vld [tilespmem:$0x130];
	_ =	sdelay $0x2  }
0x9a: {  	v0 =	vadd.s32 v16, v6  }
0x9b: {  	v1 =	vadd.s32 v17, v1;
	v6 =	vld [tilespmem:$0x140];
	v2 =	vadd.s32 v18, v2;
	v4 =	vshll.u32 v0, $0x3  }
0x9c: {  	v3 =	vadd.s32 v19, v3;
	v5 =	vshll.u32 v1, $0x3;
	v4 =	vand.u32 $0xFFFFFC00, v4  }
0x9d: {  	v0 =	vand.u32 $0x7F, v0;
	v5 =	vand.u32 $0xFFFFFC00, v5;
	v4 =	vadd.s32 v48, v4  }
0x9e: {  	v1 =	vand.u32 $0x7F, v1;
	v0 =	vor.u32 v0, v4;
	v4 =	vadd.s32 v49, v5  }
0x9f: {  	v7 =	vshll.u32 v2, $0x3;
	v2 =	vand.u32 $0x7F, v2;
	v5 =	vld [tilespmem:$0x150];
	v1 =	vor.u32 v1, v4  }
0xa0: {  	v4 =	vand.u32 $0xFFFFFC00, v7;
	v7 =	vshll.u32 v3, $0x3;
	v6 =	vadd.s32 v20, v6  }
0xa1: {  	v8 =	vld [tilespmem:$0x160];
	v3 =	vand.u32 $0x7F, v3;
	v4 =	vadd.s32 v50, v4;
	v7 =	vand.u32 $0xFFFFFC00, v7  }
0xa2: {  	v9 =	vshll.u32 v6, $0x3;
	v2 =	vor.u32 v2, v4;
	v4 =	vadd.s32 v51, v7;
	v7 =	vld [tilespmem:$0x170]  }
0xa3: {  	v3 =	vor.u32 v3, v4;
	v4 =	vand.u32 $0xFFFFFC00, v9  }
0xa4: {  	[tilespmem:$0x300] =	vst v0;
	v5 =	vadd.s32 v21, v5;
	v0 =	vadd.s32 v52, v4;
	v4 =	vand.u32 $0x7F, v6  }
0xa5: {  	v9 =	vshll.u32 v5, $0x3;
	v0 =	vor.u32 v4, v0  }
0xa6: {  	[tilespmem:$0x320] =	vst v2;
	v4 =	vadd.s32 v22, v8;
	v2 =	vand.u32 $0x7F, v5;
	v6 =	vand.u32 $0xFFFFFC00, v9  }
0xa7: {  	[tilespmem:$0x310] =	vst v1;
	v5 =	vshll.u32 v4, $0x3;
	v1 =	vadd.s32 v53, v6;
	v6 =	vadd.s32 v23, v7  }
0xa8: {  	[tilespmem:$0x330] =	vst v3;
	v7 =	vand.u32 $0xFFFFFC00, v5;
	v1 =	vor.u32 v2, v1;
	v3 =	vshll.u32 v6, $0x3  }
0xa9: {  	[tilespmem:$0x340] =	vst v0;
	v0 =	vadd.s32 v54, v7;
	v7 =	vand.u32 $0x7F, v4;
	v3 =	vand.u32 $0xFFFFFC00, v3  }
0xaa: {  	v4 =	vand.u32 $0x7F, v6;
	[tilespmem:$0x350] =	vst v1;
	v0 =	vor.u32 v7, v0;
	v7 =	vadd.s32 v55, v3  }
0xab: {  	[tilespmem:$0x360] =	vst v0;
	v5 =	vor.u32 v4, v7  }
0xac: {  	[tilespmem:$0x370] =	vst v5  }
0xad: {  	[tilespmem:s14], [sflag:$0x1] =	stream.indirect.gather [hbm4b:s1+s8], $0x1, s13, s8, $0xb8;
	[tilespmem:$0x680] =	vst v63  }
0xae: {  	v6 =	vld [tilespmem:$0x180]  }
0xaf: {  	v1 =	vld [tilespmem:$0x190]  }
0xb0: {  	v2 =	vld [tilespmem:$0x1A0]  }
0xb1: {  	v3 =	vld [tilespmem:$0x1B0];
	_ =	sdelay $0x2  }
0xb2: {  	v0 =	vadd.s32 v24, v6  }
0xb3: {  	v1 =	vadd.s32 v25, v1;
	v6 =	vld [tilespmem:$0x1C0];
	v2 =	vadd.s32 v26, v2;
	v4 =	vshll.u32 v0, $0x3  }
0xb4: {  	v3 =	vadd.s32 v27, v3;
	v5 =	vshll.u32 v1, $0x3;
	v4 =	vand.u32 $0xFFFFFC00, v4  }
0xb5: {  	v0 =	vand.u32 $0x7F, v0;
	v5 =	vand.u32 $0xFFFFFC00, v5;
	v4 =	vadd.s32 v56, v4  }
0xb6: {  	v1 =	vand.u32 $0x7F, v1;
	v0 =	vor.u32 v0, v4;
	v4 =	vadd.s32 v57, v5  }
0xb7: {  	v7 =	vshll.u32 v2, $0x3;
	v2 =	vand.u32 $0x7F, v2;
	v5 =	vld [tilespmem:$0x1D0];
	v1 =	vor.u32 v1, v4  }
0xb8: {  	v4 =	vand.u32 $0xFFFFFC00, v7;
	v7 =	vshll.u32 v3, $0x3;
	v6 =	vadd.s32 v28, v6  }
0xb9: {  	v8 =	vld [tilespmem:$0x1E0];
	v3 =	vand.u32 $0x7F, v3;
	v4 =	vadd.s32 v58, v4;
	v7 =	vand.u32 $0xFFFFFC00, v7  }
0xba: {  	v9 =	vshll.u32 v6, $0x3;
	v2 =	vor.u32 v2, v4;
	v4 =	vadd.s32 v59, v7;
	v7 =	vld [tilespmem:$0x1F0]  }
0xbb: {  	v3 =	vor.u32 v3, v4;
	v4 =	vand.u32 $0xFFFFFC00, v9  }
0xbc: {  	[tilespmem:$0x380] =	vst v0;
	v5 =	vadd.s32 v29, v5;
	v0 =	vadd.s32 v60, v4;
	v4 =	vand.u32 $0x7F, v6  }
0xbd: {  	v9 =	vshll.u32 v5, $0x3;
	v0 =	vor.u32 v4, v0  }
0xbe: {  	[tilespmem:$0x3A0] =	vst v2;
	v4 =	vadd.s32 v30, v8;
	v2 =	vand.u32 $0x7F, v5;
	v6 =	vand.u32 $0xFFFFFC00, v9  }
0xbf: {  	[tilespmem:$0x390] =	vst v1;
	v5 =	vshll.u32 v4, $0x3;
	v1 =	vadd.s32 v61, v6;
	v6 =	vadd.s32 v31, v7  }
0xc0: {  	[tilespmem:$0x3B0] =	vst v3;
	v7 =	vand.u32 $0xFFFFFC00, v5;
	v1 =	vor.u32 v2, v1;
	v3 =	vshll.u32 v6, $0x3  }
0xc1: {  	[tilespmem:$0x3C0] =	vst v0;
	v0 =	vadd.s32 v62, v7;
	v7 =	vand.u32 $0x7F, v4;
	v3 =	vand.u32 $0xFFFFFC00, v3  }
0xc2: {  	[tilespmem:$0x3D0] =	vst v1;
	v0 =	vor.u32 v7, v0;
	v7 =	vand.u32 $0x7F, v6;
	v5 =	vadd.s32 v63, v3  }
0xc3: {  	[tilespmem:$0x3E0] =	vst v0;
	v4 =	vor.u32 v7, v5  }
0xc4: {  	[tilespmem:$0x3F0] =	vst v4  }
0xc5: {  	[tilespmem:s16], [sflag:$0x1] =	stream.indirect.gather [hbm4b:s1+s8], $0x1, s15, s8, $0xb8;
	[tilespmem:$0x680] =	vst v63  }
0xc6: {  	_ =	swait.ge [sflag:s17], $0x80  }
0xc7: {  	[sflag:s17] =	ssyncset.done $0x0  }
0xc8: {  	[sflag:s17] =	ssyncadd.s32 $0xFFFFFF80  }
0xc9: {  	v5 =	vld [tilespmem:$0x400];
	_ =	sdelay $0x1  }
0xca: {  	v1 =	vld [tilespmem:$0x410];
	_ =	sdelay $0x1  }
0xcb: {  	v6 =	vld [tilespmem:$0x420]  }
0xcc: {  	v0 =	vadd.f32 $0.0e+00, v5  }
0xcd: {  	v7 =	vld [tilespmem:$0x430]  }
0xce: {  	v0 =	vadd.f32 v1, v0  }
0xcf: {  	v1 =	vld [tilespmem:$0x440]  }
0xd0: {  	v0 =	vadd.f32 v6, v0  }
0xd1: {  	v2 =	vld [tilespmem:$0x450]  }
0xd2: {  	v0 =	vadd.f32 v7, v0  }
0xd3: {  	v3 =	vld [tilespmem:$0x460]  }
0xd4: {  	v4 =	vld [tilespmem:$0x470];
	_ =	swait.ge [sflag:s17], $0x80;
	v0 =	vadd.f32 v1, v0  }
0xd5: {  	[sflag:s17] =	ssyncset.done $0x0  }
0xd6: {  	[sflag:s17] =	ssyncadd.s32 $0xFFFFFF80;
	v0 =	vadd.f32 v2, v0  }
0xd7: {  	v6 =	vld [tilespmem:$0x480]  }
0xd8: {  	v0 =	vadd.f32 v3, v0  }
0xd9: {  	v2 =	vld [tilespmem:$0x490]  }
0xda: {  	v0 =	vadd.f32 v4, v0  }
0xdb: {  	v7 =	vld [tilespmem:$0x4A0]  }
0xdc: {  	v0 =	vadd.f32 v6, v0  }
0xdd: {  	v6 =	vld [tilespmem:$0x4B0]  }
0xde: {  	v0 =	vadd.f32 v2, v0  }
0xdf: {  	v2 =	vld [tilespmem:$0x4C0]  }
0xe0: {  	v0 =	vadd.f32 v7, v0  }
0xe1: {  	v3 =	vld [tilespmem:$0x4D0]  }
0xe2: {  	v0 =	vadd.f32 v6, v0  }
0xe3: {  	v1 =	vld [tilespmem:$0x4E0]  }
0xe4: {  	v4 =	vld [tilespmem:$0x4F0];
	_ =	swait.ge [sflag:s17], $0x80;
	v0 =	vadd.f32 v2, v0  }
0xe5: {  	[sflag:s17] =	ssyncset.done $0x0  }
0xe6: {  	[sflag:s17] =	ssyncadd.s32 $0xFFFFFF80;
	v0 =	vadd.f32 v3, v0  }
0xe7: {  	v7 =	vld [tilespmem:$0x500]  }
0xe8: {  	v0 =	vadd.f32 v1, v0  }
0xe9: {  	v1 =	vld [tilespmem:$0x510]  }
0xea: {  	v0 =	vadd.f32 v4, v0  }
0xeb: {  	v6 =	vld [tilespmem:$0x520]  }
0xec: {  	v0 =	vadd.f32 v7, v0  }
0xed: {  	v7 =	vld [tilespmem:$0x530]  }
0xee: {  	v0 =	vadd.f32 v1, v0  }
0xef: {  	v1 =	vld [tilespmem:$0x540]  }
0xf0: {  	v0 =	vadd.f32 v6, v0  }
0xf1: {  	v3 =	vld [tilespmem:$0x550]  }
0xf2: {  	v0 =	vadd.f32 v7, v0  }
0xf3: {  	v2 =	vld [tilespmem:$0x560]  }
0xf4: {  	v4 =	vld [tilespmem:$0x570];
	_ =	swait.ge [sflag:s17], $0x80;
	v0 =	vadd.f32 v1, v0  }
0xf5: {  	[sflag:s17] =	ssyncset.done $0x0  }
0xf6: {  	[sflag:s17] =	ssyncadd.s32 $0xFFFFFF80;
	v0 =	vadd.f32 v3, v0  }
0xf7: {  	v6 =	vld [tilespmem:$0x580]  }
0xf8: {  	v0 =	vadd.f32 v2, v0  }
0xf9: {  	v7 =	vld [tilespmem:$0x590]  }
0xfa: {  	v0 =	vadd.f32 v4, v0  }
0xfb: {  	v3 =	vld [tilespmem:$0x5A0]  }
0xfc: {  	v0 =	vadd.f32 v6, v0  }
0xfd: {  	v6 =	vld [tilespmem:$0x5B0]  }
0xfe: {  	v0 =	vadd.f32 v7, v0  }
0xff: {  	v7 =	vld [tilespmem:$0x5C0]  }
0x100: {  	v0 =	vadd.f32 v3, v0  }
0x101: {  	v3 =	vld [tilespmem:$0x5D0]  }
0x102: {  	v0 =	vadd.f32 v6, v0  }
0x103: {  	v6 =	vld [tilespmem:$0x5E0]  }
0x104: {  	v0 =	vadd.f32 v7, v0  }
0x105: {  	v7 =	vld [tilespmem:$0x5F0]  }
0x106: {  	v0 =	vadd.f32 v3, v0;
	_ =	sdelay $0x1  }
0x107: {  	v0 =	vadd.f32 v6, v0;
	_ =	sdelay $0x1  }
0x108: {  	v0 =	vadd.f32 v7, v0  }
0x109: {  	p0 =	sne.s32 s6, $0x1  }
.Ltmp0:
0x10a: {  	[tilespmem:$0x600] =	vst v0;
	(pc) =	sbr.rel @p0 .LBB2_1-.Ltmp0, $4  }
0x10b: {  	[hbm4b:s5+s3] =	stream.linear.scatter [tilespmem:s18], [sflag:$0x2], $0x80, $0x38;
	[tilespmem:$0x680] =	vst v63  }
0x10c: {  	_ =	swait.ge [sflag:s7], $0x80  }
0x10d: {  	[sflag:s7] =	ssyncset.done $0x0  }
0x10e: {  	s6 =	sadd.s32 $0xFFFFFFFF, s6;
	[sflag:s7] =	ssyncadd.s32 $0xFFFFFF80  }
0x10f: {  	_ =	sfence.sel $0x180000  }
0x110: {  	[bflag:$0x0] =	sbarrier.arrive $0xFFFF  }
0x111: {  	p0 =	sne.s32 s0, $0x0;
	_ =	strace $0x90000047  }
0x112: {  	s0 =	sadd.s32 @!p0 $0x100000, s2;
	[bflag:$0x2] =	sbarrier.arrive $0xFFFF  }
0x113: {  	[sflag:s0] =	ssyncadd.tile.s32 @!p0 $0x1;
	_ =	shalt  }
.Lfunc_end2:
_tile_overlayer_lowered:
.L_overlay_start_2:
0x114: {  	(tag) =	ssettag $0x2  }
0x115: {  	s0 =	rddreg [dreg:$0x0];
	s2 =	stileid.u32  }
0x116: {  	s1 =	rddreg [dreg:$0x1];
	p0 =	sne.s32 s2, $0x0  }
0x117: {  	s3 =	rddreg [dreg:$0x2];
	[bflag:$0x3] =	sbarrier.arrive $0xFFFF;
	s2 =	simm.s32 @!p0 $0x1C02  }
0x118: {  	[timem:s3], [sflag:s2] =	dma.local @!p0 [hbm:s0], s1  }
0x119: {  	s0 =	simm.s32 @!p0 $0x2  }
0x11a: {  	_ =	swait.ge @!p0 [sflag:s0], s1  }
0x11b: {  	s1 =	ssub.s32 @!p0 $0x0, s1;
	[sflag:s0] =	ssyncset.done @!p0 $0x0  }
0x11c: {  	[sflag:s0] =	ssyncadd.s32 @!p0 s1  }
0x11d: {  	[bflag:$0x3] =	sbarrier.arrive $0xFFFF  }
0x11e: {  	_ =	shalt  }

</sc_bundles>
